<compile_context>
chip_gen: v7x
topology: tpu7x:2x2x1
jax: 0.10.2.dev20260603
libtpu: 0.0.44.dev20260713+nightly
codegen_flags: <defaults>
</compile_context>

<pallas_src>
import math

import jax
import jax.numpy as jnp
from jax.experimental import pallas as pl
from jax.experimental.pallas import tpu as pltpu

N, E, D = 2048, 65536, 768
H, DH = 8, 96
T = 5
BQ = 1024
NQ = N // BQ
BR = 512
NB = N // BR


def _layer_body(A_ref, x_ref, W_ref, aggb_ref, u1_ref, u2_ref, ub_ref,
                g_ref, bb_ref, out_ref, acc_ref):
    b = pl.program_id(0)
    t = pl.program_id(1)
    A16 = A_ref[0].astype(jnp.bfloat16)
    x = x_ref[...]
    x_hi = x.astype(jnp.bfloat16)
    x_lo = (x - x_hi.astype(jnp.float32)).astype(jnp.bfloat16)
    C = jnp.dot(A16, x_hi, preferred_element_type=jnp.float32)
    C += jnp.dot(A16, x_lo, preferred_element_type=jnp.float32)
    contrib = jnp.dot(C, W_ref[0].T, preferred_element_type=jnp.float32)

    @pl.when(t == 0)
    def _():
        acc_ref[...] = aggb_ref[...] + contrib

    @pl.when(t > 0)
    def _():
        acc_ref[...] += contrib

    @pl.when(t == T - 1)
    def _():
        xb = x_ref[pl.ds(b * BR, BR), :]
        upd = jnp.dot(xb, u1_ref[...].T, preferred_element_type=jnp.float32)
        upd += jnp.dot(acc_ref[...], u2_ref[...].T, preferred_element_type=jnp.float32)
        upd = jnp.maximum(upd + ub_ref[...], 0.0)
        y = xb + upd
        m = jnp.mean(y, axis=-1, keepdims=True)
        v = jnp.mean((y - m) ** 2, axis=-1, keepdims=True)
        out_ref[...] = (y - m) / jnp.sqrt(v + 1e-5) * g_ref[...] + bb_ref[...]


def _gnn_layer(A3, x, W_l, aggb_l, upd_W_l, upd_b_l, g_l, b_l):
    return pl.pallas_call(
        _layer_body,
        grid=(NB, T),
        in_specs=[
            pl.BlockSpec((1, BR, N), lambda b, t: (t, b, 0)),
            pl.BlockSpec((N, D), lambda b, t: (0, 0)),
            pl.BlockSpec((1, D, D), lambda b, t: (t, 0, 0)),
            pl.BlockSpec((BR, D), lambda b, t: (b, 0)),
            pl.BlockSpec((D, D), lambda b, t: (0, 0)),
            pl.BlockSpec((D, D), lambda b, t: (0, 0)),
            pl.BlockSpec((1, D), lambda b, t: (0, 0)),
            pl.BlockSpec((1, D), lambda b, t: (0, 0)),
            pl.BlockSpec((1, D), lambda b, t: (0, 0)),
        ],
        out_specs=pl.BlockSpec((BR, D), lambda b, t: (b, 0)),
        out_shape=jax.ShapeDtypeStruct((N, D), jnp.float32),
        scratch_shapes=[pltpu.VMEM((BR, D), jnp.float32)],
    )(A3, x, W_l, aggb_l, upd_W_l[:, :D], upd_W_l[:, D:], upd_b_l[None],
      g_l[None], b_l[None])


def _qkv_body(x_ref, w_ref, b_ref, o_ref):
    o_ref[0, 0] = jnp.dot(x_ref[...], w_ref[0, 0].T,
                          preferred_element_type=jnp.float32) + b_ref[0, 0]


def _attn_body(q_ref, k_ref, v_ref, o_ref, aw_ref):
    h = pl.program_id(1)
    q = q_ref[0, 0]
    k = k_ref[0, 0]
    v = v_ref[0, 0]
    s = jnp.dot(q, k.T, preferred_element_type=jnp.float32) * (1.0 / math.sqrt(DH))
    m = jnp.max(s, axis=-1, keepdims=True)
    p = jnp.exp(s - m)
    p = p * (1.0 / jnp.sum(p, axis=-1, keepdims=True))
    o_ref[0] = jnp.dot(p, v, preferred_element_type=jnp.float32)

    @pl.when(h == 0)
    def _():
        aw_ref[...] = p * (1.0 / H)

    @pl.when(h != 0)
    def _():
        aw_ref[...] += p * (1.0 / H)


def _out_body(o_ref, w_ref, b_ref, gr_ref, pool_ref):
    h = pl.program_id(0)
    contrib = jnp.dot(o_ref[0], w_ref[0], preferred_element_type=jnp.float32)

    @pl.when(h == 0)
    def _():
        gr_ref[...] = contrib + b_ref[...]

    @pl.when(h > 0)
    def _():
        gr_ref[...] += contrib

    @pl.when(h == H - 1)
    def _():
        pool_ref[...] = jnp.sum(gr_ref[...], axis=0, keepdims=True) * (1.0 / N)


def _attention(x, in_proj_W, in_proj_b, out_W, out_b):
    qkv = pl.pallas_call(
        _qkv_body,
        grid=(3, H),
        in_specs=[
            pl.BlockSpec((N, D), lambda p, h: (0, 0)),
            pl.BlockSpec((1, 1, DH, D), lambda p, h: (p, h, 0, 0)),
            pl.BlockSpec((1, 1, 1, DH), lambda p, h: (p, h, 0, 0)),
        ],
        out_specs=pl.BlockSpec((1, 1, N, DH), lambda p, h: (p, h, 0, 0)),
        out_shape=jax.ShapeDtypeStruct((3, H, N, DH), jnp.float32),
    )(x, in_proj_W.reshape(3, H, DH, D), in_proj_b.reshape(3, H, 1, DH))
    o, aw = pl.pallas_call(
        _attn_body,
        grid=(NQ, H),
        in_specs=[
            pl.BlockSpec((1, 1, BQ, DH), lambda i, h: (0, h, i, 0)),
            pl.BlockSpec((1, 1, N, DH), lambda i, h: (1, h, 0, 0)),
            pl.BlockSpec((1, 1, N, DH), lambda i, h: (2, h, 0, 0)),
        ],
        out_specs=[
            pl.BlockSpec((1, BQ, DH), lambda i, h: (h, i, 0)),
            pl.BlockSpec((BQ, N), lambda i, h: (i, 0)),
        ],
        out_shape=[
            jax.ShapeDtypeStruct((H, N, DH), jnp.float32),
            jax.ShapeDtypeStruct((N, N), jnp.float32),
        ],
    )(qkv, qkv, qkv)
    graph_repr, pooled = pl.pallas_call(
        _out_body,
        grid=(H,),
        in_specs=[
            pl.BlockSpec((1, N, DH), lambda h: (h, 0, 0)),
            pl.BlockSpec((1, DH, D), lambda h: (h, 0, 0)),
            pl.BlockSpec((1, D), lambda h: (0, 0)),
        ],
        out_specs=[
            pl.BlockSpec((N, D), lambda h: (0, 0)),
            pl.BlockSpec((1, D), lambda h: (0, 0)),
        ],
        out_shape=[
            jax.ShapeDtypeStruct((N, D), jnp.float32),
            jax.ShapeDtypeStruct((1, D), jnp.float32),
        ],
    )(o, out_W.T.reshape(H, DH, D), out_b[None])
    return graph_repr, pooled[0], aw[None]


def kernel(node_features, edge_indices, edge_types, node_types, statute_emb, case_emb,
           article_emb, msg_W, msg_b, upd_W, upd_b, ln_g, ln_b, in_proj_W, in_proj_b,
           out_W, out_b, a1_W, a1_b, a2_W, a2_b, a3_W, a3_b):
    e0 = jnp.concatenate([statute_emb, statute_emb, statute_emb[:N - 2000]])
    e1 = case_emb[:N]
    e2 = jnp.concatenate([article_emb, article_emb[:N - 2000]])
    nt = node_types[:, None]
    node_emb = jnp.where(nt == 0, e0, jnp.where(nt == 1, e1, e2))
    x = node_features + node_emb

    src = edge_indices[0]
    dst = edge_indices[1]
    flat = (edge_types * N + dst) * N + src
    A3 = (jnp.zeros((T * N * N,), jnp.float32).at[flat].add(1.0)
          .reshape(T, N, N))
    deg = A3.sum(axis=2).T

    for l in range(3):
        aggb_l = deg @ msg_b[l]
        x = _gnn_layer(A3, x, msg_W[l], aggb_l, upd_W[l], upd_b[l],
                       ln_g[l], ln_b[l])

    graph_repr, pooled, attn_weights = _attention(x, in_proj_W, in_proj_b,
                                                  out_W, out_b)
    h = jax.nn.relu(pooled @ a1_W.T + a1_b)
    h = jax.nn.relu(h @ a2_W.T + a2_b)
    score = jax.nn.sigmoid(h @ a3_W.T + a3_b)
    return x, graph_repr, score, attn_weights

# --- scband reference (transcript-rebuilt; emitter-appended) ---
"""Pipeline reference for scband-legal-graph-neural-network-867583393904 (READ-ONLY COPY).

The authoritative reference and input builder live on the scoring server;
editing this copy changes nothing except your own understanding.
"""

import jax, jax.numpy as jnp
import numpy as np

N, E, D = 2048, 65536, 768
H, DH = 8, 96


def _layer_norm(x, g, b):
    m = jnp.mean(x, axis=-1, keepdims=True)
    v = jnp.mean((x - m) ** 2, axis=-1, keepdims=True)
    return (x - m) / jnp.sqrt(v + 1e-5) * g + b


def setup_inputs(seed: int = 0):
    key = jax.random.key(seed)
    ks = jax.random.split(key, 32)
    s = 0.02
    inp = {}
    inp['node_features'] = jax.random.normal(ks[0], (N, D), dtype=jnp.float32)
    inp['edge_indices'] = jax.random.randint(ks[1], (2, E), 0, N, dtype=jnp.int32)
    inp['edge_types'] = jax.random.randint(ks[2], (E,), 0, 5, dtype=jnp.int32)
    inp['node_types'] = jax.random.randint(ks[3], (N,), 0, 3, dtype=jnp.int32)
    inp['statute_emb'] = jax.random.normal(ks[4], (1000, D), dtype=jnp.float32)
    inp['case_emb'] = jax.random.normal(ks[5], (5000, D), dtype=jnp.float32)
    inp['article_emb'] = jax.random.normal(ks[6], (2000, D), dtype=jnp.float32)
    inp['msg_W'] = jax.random.normal(ks[7], (3, 5, D, D), dtype=jnp.float32) * s
    inp['msg_b'] = jnp.zeros((3, 5, D), dtype=jnp.float32)
    inp['upd_W'] = jax.random.normal(ks[8], (3, D, 2 * D), dtype=jnp.float32) * s
    inp['upd_b'] = jnp.zeros((3, D), dtype=jnp.float32)
    inp['ln_g'] = jnp.ones((3, D), dtype=jnp.float32)
    inp['ln_b'] = jnp.zeros((3, D), dtype=jnp.float32)
    inp['in_proj_W'] = jax.random.normal(ks[9], (3 * D, D), dtype=jnp.float32) * s
    inp['in_proj_b'] = jnp.zeros((3 * D,), dtype=jnp.float32)
    inp['out_W'] = jax.random.normal(ks[10], (D, D), dtype=jnp.float32) * s
    inp['out_b'] = jnp.zeros((D,), dtype=jnp.float32)
    inp['a1_W'] = jax.random.normal(ks[11], (512, D), dtype=jnp.float32) * s
    inp['a1_b'] = jnp.zeros((512,), dtype=jnp.float32)
    inp['a2_W'] = jax.random.normal(ks[12], (256, 512), dtype=jnp.float32) * s
    inp['a2_b'] = jnp.zeros((256,), dtype=jnp.float32)
    inp['a3_W'] = jax.random.normal(ks[13], (1, 256), dtype=jnp.float32) * s
    inp['a3_b'] = jnp.zeros((1,), dtype=jnp.float32)
    return inp


def reference(node_features, edge_indices, edge_types, node_types, statute_emb, case_emb,
              article_emb, msg_W, msg_b, upd_W, upd_b, ln_g, ln_b, in_proj_W, in_proj_b,
              out_W, out_b, a1_W, a1_b, a2_W, a2_b, a3_W, a3_b):
    n = node_features.shape[0]
    i = jnp.arange(n)
    e0 = jnp.take(statute_emb, i % 1000, axis=0)
    e1 = jnp.take(case_emb, i % 5000, axis=0)
    e2 = jnp.take(article_emb, i % 2000, axis=0)
    nt = node_types[:, None]
    node_emb = jnp.where(nt == 0, e0, jnp.where(nt == 1, e1, e2))
    x = node_features + node_emb
    src = edge_indices[0]
    dst = edge_indices[1]
    # 3 graph conv layers; dropout is identity in eval mode
    for l in range(3):
        agg = jnp.zeros_like(x)
        for t in range(5):
            # Linear(x)[src] == Linear(x[src]) -- same math, cheaper
            yt = x @ msg_W[l, t].T + msg_b[l, t]
            msgs = jnp.take(yt, src, axis=0)
            mask = (edge_types == t)[:, None]
            agg = agg.at[dst].add(jnp.where(mask, msgs, 0.0))
        combined = jnp.concatenate([x, agg], axis=-1)
        upd = jax.nn.relu(combined @ upd_W[l].T + upd_b[l])
        x = _layer_norm(x + upd, ln_g[l], ln_b[l])
    # multi-head self-attention over all nodes (batch of 1)
    qkv = x @ in_proj_W.T + in_proj_b
    q, k, v = jnp.split(qkv, 3, axis=-1)
    q = q.reshape(n, H, DH).transpose(1, 0, 2)
    k = k.reshape(n, H, DH).transpose(1, 0, 2)
    v = v.reshape(n, H, DH).transpose(1, 0, 2)
    scores = (q @ k.transpose(0, 2, 1)) / jnp.sqrt(jnp.float32(DH))
    attn = jax.nn.softmax(scores, axis=-1)
    o = (attn @ v).transpose(1, 0, 2).reshape(n, D)
    graph_repr = o @ out_W.T + out_b
    attn_weights = jnp.mean(attn, axis=0)[None]  # torch averages heads -> [1, N, N]
    pooled = jnp.mean(graph_repr, axis=0)
    h = jax.nn.relu(pooled @ a1_W.T + a1_b)
    h = jax.nn.relu(h @ a2_W.T + a2_b)
    score = jax.nn.sigmoid(h @ a3_W.T + a3_b)
    return x, graph_repr, score, attn_weights

if __name__ == "__main__":
    import jax
    _d = setup_inputs()
    print(jax.jit(kernel)(*tuple(_d.values())))

</pallas_src>

<mosaic_0001>
module attributes {stable_mosaic.version = 14 : i64} {
  func.func @_layer_body(%arg0: i32, %arg1: i32, %arg2: memref<1x512x2048xf32, #tpu.memory_space<vmem>>, %arg3: memref<2048x768xf32, #tpu.memory_space<vmem>>, %arg4: memref<1x768x768xf32, #tpu.memory_space<vmem>>, %arg5: memref<512x768xf32, #tpu.memory_space<vmem>>, %arg6: memref<768x768xf32, #tpu.memory_space<vmem>>, %arg7: memref<768x768xf32, #tpu.memory_space<vmem>>, %arg8: memref<1x768xf32, #tpu.memory_space<vmem>>, %arg9: memref<1x768xf32, #tpu.memory_space<vmem>>, %arg10: memref<1x768xf32, #tpu.memory_space<vmem>>, %arg11: memref<512x768xf32, #tpu.memory_space<vmem>>, %arg12: memref<512x768xf32, #tpu.memory_space<vmem>>) attributes {dimension_semantics = [#tpu.dimension_semantics<arbitrary>, #tpu.dimension_semantics<arbitrary>], iteration_bounds = array<i64: 4, 5>, scalar_prefetch = 0 : i64, scratch_operands = 1 : i64, tpu.core_type = #tpu.core_type<tc>, window_params = [{transform_indices = @transform_0, window_bounds = array<i64: 1, 512, 2048>}, {pipeline_mode = #tpu.pipeline_mode<synchronous>, transform_indices = @transform_1, window_bounds = array<i64: 2048, 768>}, {transform_indices = @transform_2, window_bounds = array<i64: 1, 768, 768>}, {transform_indices = @transform_3, window_bounds = array<i64: 512, 768>}, {pipeline_mode = #tpu.pipeline_mode<synchronous>, transform_indices = @transform_4, window_bounds = array<i64: 768, 768>}, {pipeline_mode = #tpu.pipeline_mode<synchronous>, transform_indices = @transform_5, window_bounds = array<i64: 768, 768>}, {pipeline_mode = #tpu.pipeline_mode<synchronous>, transform_indices = @transform_6, window_bounds = array<i64: 1, 768>}, {pipeline_mode = #tpu.pipeline_mode<synchronous>, transform_indices = @transform_7, window_bounds = array<i64: 1, 768>}, {pipeline_mode = #tpu.pipeline_mode<synchronous>, transform_indices = @transform_8, window_bounds = array<i64: 1, 768>}, {transform_indices = @transform_9, window_bounds = array<i64: 512, 768>}]} {
    %get3A = arith.constant 0 : index
    %get3A_0 = arith.constant 0 : index
    %get3A_1 = arith.constant 0 : index
    %get3A_2 = vector.load %arg2[%get3A, %get3A_0, %get3A_1] : memref<1x512x2048xf32, #tpu.memory_space<vmem>>, vector<1x512x2048xf32>
    %get3A_3 = vector.shape_cast %get3A_2 : vector<1x512x2048xf32> to vector<512x2048xf32>
    %convert_element_type3A = arith.truncf %get3A_3 : vector<512x2048xf32> to vector<512x2048xbf16>
    %get3A_4 = arith.constant 0 : index
    %get3A_5 = arith.constant 0 : index
    %get3A_6 = vector.load %arg3[%get3A_4, %get3A_5] : memref<2048x768xf32, #tpu.memory_space<vmem>>, vector<2048x768xf32>
    %convert_element_type3A_7 = arith.truncf %get3A_6 : vector<2048x768xf32> to vector<2048x768xbf16>
    %convert_element_type3A_8 = arith.extf %convert_element_type3A_7 : vector<2048x768xbf16> to vector<2048x768xf32>
    %sub3A = arith.subf %get3A_6, %convert_element_type3A_8 : vector<2048x768xf32>
    %convert_element_type3A_9 = arith.truncf %sub3A : vector<2048x768xf32> to vector<2048x768xbf16>
    %dot_general3A = arith.constant dense<0.000000e+00> : vector<512x768xf32>
    %dot_general3A_10 = tpu.matmul %convert_element_type3A, %convert_element_type3A_7, %dot_general3A {dimension_numbers = #tpu.dot_dimension_numbers<[1], [0], [0], [1], [0, 0, 1, 1], [], []>, transpose_lhs_hint = false} : vector<512x2048xbf16>, vector<2048x768xbf16>, vector<512x768xf32> -> vector<512x768xf32>
    %dot_general3A_11 = arith.constant dense<0.000000e+00> : vector<512x768xf32>
    %dot_general3A_12 = tpu.matmul %convert_element_type3A, %convert_element_type3A_9, %dot_general3A_11 {dimension_numbers = #tpu.dot_dimension_numbers<[1], [0], [0], [1], [0, 0, 1, 1], [], []>, transpose_lhs_hint = false} : vector<512x2048xbf16>, vector<2048x768xbf16>, vector<512x768xf32> -> vector<512x768xf32>
    %add3A = arith.addf %dot_general3A_10, %dot_general3A_12 : vector<512x768xf32>
    %get3A_13 = arith.constant 0 : index
    %get3A_14 = arith.constant 0 : index
    %get3A_15 = arith.constant 0 : index
    %get3A_16 = vector.load %arg4[%get3A_13, %get3A_14, %get3A_15] : memref<1x768x768xf32, #tpu.memory_space<vmem>>, vector<1x768x768xf32>
    %get3A_17 = vector.shape_cast %get3A_16 : vector<1x768x768xf32> to vector<768x768xf32>
    %transpose3A = tpu.transpose %get3A_17, [1, 0] : vector<768x768xf32> -> vector<768x768xf32>
    %dot_general3A_18 = arith.constant dense<0.000000e+00> : vector<512x768xf32>
    %dot_general3A_19 = tpu.matmul %add3A, %transpose3A, %dot_general3A_18 {dimension_numbers = #tpu.dot_dimension_numbers<[1], [0], [0], [1], [0, 0, 1, 1], [], []>, transpose_lhs_hint = false} : vector<512x768xf32>, vector<768x768xf32>, vector<512x768xf32> -> vector<512x768xf32>
    %eq3A = arith.constant 0 : i32
    %eq3A_20 = arith.cmpi eq, %arg1, %eq3A : i32
    %convert_element_type3A_21 = arith.extui %eq3A_20 : i1 to i32
    %cond3A = arith.constant 0 : i32
    %cond3A_22 = arith.cmpi ne, %convert_element_type3A_21, %cond3A : i32
    scf.if %cond3A_22 {
      %get3A_32 = arith.constant 0 : index
      %get3A_33 = arith.constant 0 : index
      %get3A_34 = vector.load %arg5[%get3A_32, %get3A_33] : memref<512x768xf32, #tpu.memory_space<vmem>>, vector<512x768xf32>
      %add3A_35 = arith.addf %get3A_34, %dot_general3A_19 : vector<512x768xf32>
      %swap3A = arith.constant 0 : index
      %swap3A_36 = arith.constant 0 : index
      %swap3A_37 = vector.load %arg12[%swap3A, %swap3A_36] : memref<512x768xf32, #tpu.memory_space<vmem>>, vector<512x768xf32>
      tpu.vector_store %arg12[%swap3A, %swap3A_36], %add3A_35 {strides = array<i32>} : memref<512x768xf32, #tpu.memory_space<vmem>>, vector<512x768xf32>,
    } else {
    }
    %gt3A = arith.constant 0 : i32
    %gt3A_23 = arith.cmpi sgt, %arg1, %gt3A : i32
    %convert_element_type3A_24 = arith.extui %gt3A_23 : i1 to i32
    %cond3A_25 = arith.constant 0 : i32
    %cond3A_26 = arith.cmpi ne, %convert_element_type3A_24, %cond3A_25 : i32
    scf.if %cond3A_26 {
      %get3A_32 = arith.constant 0 : index
      %get3A_33 = arith.constant 0 : index
      %get3A_34 = vector.load %arg12[%get3A_32, %get3A_33] : memref<512x768xf32, #tpu.memory_space<vmem>>, vector<512x768xf32>
      %add3A_35 = arith.addf %get3A_34, %dot_general3A_19 : vector<512x768xf32>
      %swap3A = arith.constant 0 : index
      %swap3A_36 = arith.constant 0 : index
      %swap3A_37 = vector.load %arg12[%swap3A, %swap3A_36] : memref<512x768xf32, #tpu.memory_space<vmem>>, vector<512x768xf32>
      tpu.vector_store %arg12[%swap3A, %swap3A_36], %add3A_35 {strides = array<i32>} : memref<512x768xf32, #tpu.memory_space<vmem>>, vector<512x768xf32>,
    } else {
    }
    %eq3A_27 = arith.constant 4 : i32
    %eq3A_28 = arith.cmpi eq, %arg1, %eq3A_27 : i32
    %convert_element_type3A_29 = arith.extui %eq3A_28 : i1 to i32
    %cond3A_30 = arith.constant 0 : i32
    %cond3A_31 = arith.cmpi ne, %convert_element_type3A_29, %cond3A_30 : i32
    scf.if %cond3A_31 {
      %mul3A = arith.constant 512 : i32
      %mul3A_32 = arith.muli %arg0, %mul3A : i32
      %get3A_33 = arith.index_cast %mul3A_32 : i32 to index
      %get3A_34 = arith.constant 0 : index
      %get3A_35 = vector.load %arg3[%get3A_33, %get3A_34] : memref<2048x768xf32, #tpu.memory_space<vmem>>, vector<512x768xf32>
      %get3A_36 = arith.constant 0 : index
      %get3A_37 = arith.constant 0 : index
      %get3A_38 = vector.load %arg6[%get3A_36, %get3A_37] : memref<768x768xf32, #tpu.memory_space<vmem>>, vector<768x768xf32>
      %transpose3A_39 = tpu.transpose %get3A_38, [1, 0] : vector<768x768xf32> -> vector<768x768xf32>
      %dot_general3A_40 = arith.constant dense<0.000000e+00> : vector<512x768xf32>
      %dot_general3A_41 = tpu.matmul %get3A_35, %transpose3A_39, %dot_general3A_40 {dimension_numbers = #tpu.dot_dimension_numbers<[1], [0], [0], [1], [0, 0, 1, 1], [], []>, transpose_lhs_hint = false} : vector<512x768xf32>, vector<768x768xf32>, vector<512x768xf32> -> vector<512x768xf32>
      %get3A_42 = arith.constant 0 : index
      %get3A_43 = arith.constant 0 : index
      %get3A_44 = vector.load %arg12[%get3A_42, %get3A_43] : memref<512x768xf32, #tpu.memory_space<vmem>>, vector<512x768xf32>
      %get3A_45 = arith.constant 0 : index
      %get3A_46 = arith.constant 0 : index
      %get3A_47 = vector.load %arg7[%get3A_45, %get3A_46] : memref<768x768xf32, #tpu.memory_space<vmem>>, vector<768x768xf32>
      %transpose3A_48 = tpu.transpose %get3A_47, [1, 0] : vector<768x768xf32> -> vector<768x768xf32>
      %dot_general3A_49 = arith.constant dense<0.000000e+00> : vector<512x768xf32>
      %dot_general3A_50 = tpu.matmul %get3A_44, %transpose3A_48, %dot_general3A_49 {dimension_numbers = #tpu.dot_dimension_numbers<[1], [0], [0], [1], [0, 0, 1, 1], [], []>, transpose_lhs_hint = false} : vector<512x768xf32>, vector<768x768xf32>, vector<512x768xf32> -> vector<512x768xf32>
      %add3A_51 = arith.addf %dot_general3A_41, %dot_general3A_50 : vector<512x768xf32>
      %get3A_52 = arith.constant 0 : index
      %get3A_53 = arith.constant 0 : index
      %get3A_54 = vector.load %arg8[%get3A_52, %get3A_53] : memref<1x768xf32, #tpu.memory_space<vmem>>, vector<1x768xf32>
      %add3A_55 = vector.broadcast %get3A_54 : vector<1x768xf32> to vector<512x768xf32>
      %add3A_56 = arith.addf %add3A_51, %add3A_55 : vector<512x768xf32>
      %max3A = arith.constant 0.000000e+00 : f32
      %max3A_57 = vector.broadcast %max3A : f32 to vector<512x768xf32>
      %max3A_58 = arith.maximumf %add3A_56, %max3A_57 : vector<512x768xf32>
      %add3A_59 = arith.addf %get3A_35, %max3A_58 : vector<512x768xf32>
      %reduce_sum3A = arith.constant dense<0.000000e+00> : vector<512xf32>
      %reduce_sum3A_60 = vector.multi_reduction <add>, %add3A_59, %reduce_sum3A [1] : vector<512x768xf32> to vector<512xf32>
      %broadcast_in_dim3A = vector.shape_cast %reduce_sum3A_60 : vector<512xf32> to vector<512x1xf32>
      %div3A = arith.constant 7.680000e+02 : f32
      %div3A_61 = vector.broadcast %div3A : f32 to vector<512x1xf32>
      %div3A_62 = arith.divf %broadcast_in_dim3A, %div3A_61 : vector<512x1xf32>
      %sub3A_63 = vector.broadcast %div3A_62 : vector<512x1xf32> to vector<512x768xf32>
      %sub3A_64 = arith.subf %add3A_59, %sub3A_63 : vector<512x768xf32>
      %integer_pow3A = arith.mulf %sub3A_64, %sub3A_64 : vector<512x768xf32>
      %reduce_sum3A_65 = arith.constant dense<0.000000e+00> : vector<512xf32>
      %reduce_sum3A_66 = vector.multi_reduction <add>, %integer_pow3A, %reduce_sum3A_65 [1] : vector<512x768xf32> to vector<512xf32>
      %broadcast_in_dim3A_67 = vector.shape_cast %reduce_sum3A_66 : vector<512xf32> to vector<512x1xf32>
      %div3A_68 = arith.constant 7.680000e+02 : f32
      %div3A_69 = vector.broadcast %div3A_68 : f32 to vector<512x1xf32>
      %div3A_70 = arith.divf %broadcast_in_dim3A_67, %div3A_69 : vector<512x1xf32>
      %sub3A_71 = vector.broadcast %div3A_62 : vector<512x1xf32> to vector<512x768xf32>
      %sub3A_72 = arith.subf %add3A_59, %sub3A_71 : vector<512x768xf32>
      %add3A_73 = arith.constant 9.99999974E-6 : f32
      %add3A_74 = vector.broadcast %add3A_73 : f32 to vector<512x1xf32>
      %add3A_75 = arith.addf %div3A_70, %add3A_74 : vector<512x1xf32>
      %sqrt3A = math.sqrt %add3A_75 : vector<512x1xf32>
      %div3A_76 = vector.broadcast %sqrt3A : vector<512x1xf32> to vector<512x768xf32>
      %div3A_77 = arith.divf %sub3A_72, %div3A_76 : vector<512x768xf32>
      %get3A_78 = arith.constant 0 : index
      %get3A_79 = arith.constant 0 : index
      %get3A_80 = vector.load %arg9[%get3A_78, %get3A_79] : memref<1x768xf32, #tpu.memory_space<vmem>>, vector<1x768xf32>
      %mul3A_81 = vector.broadcast %get3A_80 : vector<1x768xf32> to vector<512x768xf32>
      %mul3A_82 = arith.mulf %div3A_77, %mul3A_81 : vector<512x768xf32>
      %get3A_83 = arith.constant 0 : index
      %get3A_84 = arith.constant 0 : index
      %get3A_85 = vector.load %arg10[%get3A_83, %get3A_84] : memref<1x768xf32, #tpu.memory_space<vmem>>, vector<1x768xf32>
      %add3A_86 = vector.broadcast %get3A_85 : vector<1x768xf32> to vector<512x768xf32>
      %add3A_87 = arith.addf %mul3A_82, %add3A_86 : vector<512x768xf32>
      %swap3A = arith.constant 0 : index
      %swap3A_88 = arith.constant 0 : index
      %swap3A_89 = vector.load %arg11[%swap3A, %swap3A_88] : memref<512x768xf32, #tpu.memory_space<vmem>>, vector<512x768xf32>
      tpu.vector_store %arg11[%swap3A, %swap3A_88], %add3A_87 {strides = array<i32>} : memref<512x768xf32, #tpu.memory_space<vmem>>, vector<512x768xf32>,
    } else {
    }
    return
  }
  func.func @transform_0(%arg0: i32, %arg1: i32) -> (i32, i32, i32) {
    %c0_i32 = arith.constant 0 : i32
    %c0_i32_0 = arith.constant 0 : i32
    return %arg1, %arg0, %c0_i32 : i32, i32, i32
  }
  func.func @transform_1(%arg0: i32, %arg1: i32) -> (i32, i32) {
    %c0_i32 = arith.constant 0 : i32
    %c0_i32_0 = arith.constant 0 : i32
    %c0_i32_1 = arith.constant 0 : i32
    return %c0_i32, %c0_i32_0 : i32, i32
  }
  func.func @transform_2(%arg0: i32, %arg1: i32) -> (i32, i32, i32) {
    %c0_i32 = arith.constant 0 : i32
    %c0_i32_0 = arith.constant 0 : i32
    %c0_i32_1 = arith.constant 0 : i32
    return %arg1, %c0_i32, %c0_i32_0 : i32, i32, i32
  }
  func.func @transform_3(%arg0: i32, %arg1: i32) -> (i32, i32) {
    %c0_i32 = arith.constant 0 : i32
    %c0_i32_0 = arith.constant 0 : i32
    return %arg0, %c0_i32 : i32, i32
  }
  func.func @transform_4(%arg0: i32, %arg1: i32) -> (i32, i32) {
    %c0_i32 = arith.constant 0 : i32
    %c0_i32_0 = arith.constant 0 : i32
    %c0_i32_1 = arith.constant 0 : i32
    return %c0_i32, %c0_i32_0 : i32, i32
  }
  func.func @transform_5(%arg0: i32, %arg1: i32) -> (i32, i32) {
    %c0_i32 = arith.constant 0 : i32
    %c0_i32_0 = arith.constant 0 : i32
    %c0_i32_1 = arith.constant 0 : i32
    return %c0_i32, %c0_i32_0 : i32, i32
  }
  func.func @transform_6(%arg0: i32, %arg1: i32) -> (i32, i32) {
    %c0_i32 = arith.constant 0 : i32
    %c0_i32_0 = arith.constant 0 : i32
    %c0_i32_1 = arith.constant 0 : i32
    return %c0_i32, %c0_i32_0 : i32, i32
  }
  func.func @transform_7(%arg0: i32, %arg1: i32) -> (i32, i32) {
    %c0_i32 = arith.constant 0 : i32
    %c0_i32_0 = arith.constant 0 : i32
    %c0_i32_1 = arith.constant 0 : i32
    return %c0_i32, %c0_i32_0 : i32, i32
  }
  func.func @transform_8(%arg0: i32, %arg1: i32) -> (i32, i32) {
    %c0_i32 = arith.constant 0 : i32
    %c0_i32_0 = arith.constant 0 : i32
    %c0_i32_1 = arith.constant 0 : i32
    return %c0_i32, %c0_i32_0 : i32, i32
  }
  func.func @transform_9(%arg0: i32, %arg1: i32) -> (i32, i32) {
    %c0_i32 = arith.constant 0 : i32
    %c0_i32_0 = arith.constant 0 : i32
    return %arg0, %c0_i32 : i32, i32
  }
}

module attributes {stable_mosaic.version = 14 : i64} {
  func.func @_layer_body(%arg0: i32, %arg1: i32, %arg2: memref<1x512x2048xf32, #tpu.memory_space<vmem>>, %arg3: memref<2048x768xf32, #tpu.memory_space<vmem>>, %arg4: memref<1x768x768xf32, #tpu.memory_space<vmem>>, %arg5: memref<512x768xf32, #tpu.memory_space<vmem>>, %arg6: memref<768x768xf32, #tpu.memory_space<vmem>>, %arg7: memref<768x768xf32, #tpu.memory_space<vmem>>, %arg8: memref<1x768xf32, #tpu.memory_space<vmem>>, %arg9: memref<1x768xf32, #tpu.memory_space<vmem>>, %arg10: memref<1x768xf32, #tpu.memory_space<vmem>>, %arg11: memref<512x768xf32, #tpu.memory_space<vmem>>, %arg12: memref<512x768xf32, #tpu.memory_space<vmem>>) attributes {dimension_semantics = [#tpu.dimension_semantics<arbitrary>, #tpu.dimension_semantics<arbitrary>], iteration_bounds = array<i64: 4, 5>, scalar_prefetch = 0 : i64, scratch_operands = 1 : i64, tpu.core_type = #tpu.core_type<tc>, window_params = [{transform_indices = @transform_0, window_bounds = array<i64: 1, 512, 2048>}, {pipeline_mode = #tpu.pipeline_mode<synchronous>, transform_indices = @transform_1, window_bounds = array<i64: 2048, 768>}, {transform_indices = @transform_2, window_bounds = array<i64: 1, 768, 768>}, {transform_indices = @transform_3, window_bounds = array<i64: 512, 768>}, {pipeline_mode = #tpu.pipeline_mode<synchronous>, transform_indices = @transform_4, window_bounds = array<i64: 768, 768>}, {pipeline_mode = #tpu.pipeline_mode<synchronous>, transform_indices = @transform_5, window_bounds = array<i64: 768, 768>}, {pipeline_mode = #tpu.pipeline_mode<synchronous>, transform_indices = @transform_6, window_bounds = array<i64: 1, 768>}, {pipeline_mode = #tpu.pipeline_mode<synchronous>, transform_indices = @transform_7, window_bounds = array<i64: 1, 768>}, {pipeline_mode = #tpu.pipeline_mode<synchronous>, transform_indices = @transform_8, window_bounds = array<i64: 1, 768>}, {transform_indices = @transform_9, window_bounds = array<i64: 512, 768>}]} {
    %get3A = arith.constant 0 : index
    %get3A_0 = arith.constant 0 : index
    %get3A_1 = arith.constant 0 : index
    %get3A_2 = vector.load %arg2[%get3A, %get3A_0, %get3A_1] : memref<1x512x2048xf32, #tpu.memory_space<vmem>>, vector<1x512x2048xf32>
    %get3A_3 = vector.shape_cast %get3A_2 : vector<1x512x2048xf32> to vector<512x2048xf32>
    %convert_element_type3A = arith.truncf %get3A_3 : vector<512x2048xf32> to vector<512x2048xbf16>
    %get3A_4 = arith.constant 0 : index
    %get3A_5 = arith.constant 0 : index
    %get3A_6 = vector.load %arg3[%get3A_4, %get3A_5] : memref<2048x768xf32, #tpu.memory_space<vmem>>, vector<2048x768xf32>
    %convert_element_type3A_7 = arith.truncf %get3A_6 : vector<2048x768xf32> to vector<2048x768xbf16>
    %convert_element_type3A_8 = arith.extf %convert_element_type3A_7 : vector<2048x768xbf16> to vector<2048x768xf32>
    %sub3A = arith.subf %get3A_6, %convert_element_type3A_8 : vector<2048x768xf32>
    %convert_element_type3A_9 = arith.truncf %sub3A : vector<2048x768xf32> to vector<2048x768xbf16>
    %dot_general3A = arith.constant dense<0.000000e+00> : vector<512x768xf32>
    %dot_general3A_10 = tpu.matmul %convert_element_type3A, %convert_element_type3A_7, %dot_general3A {dimension_numbers = #tpu.dot_dimension_numbers<[1], [0], [0], [1], [0, 0, 1, 1], [], []>, transpose_lhs_hint = false} : vector<512x2048xbf16>, vector<2048x768xbf16>, vector<512x768xf32> -> vector<512x768xf32>
    %dot_general3A_11 = arith.constant dense<0.000000e+00> : vector<512x768xf32>
    %dot_general3A_12 = tpu.matmul %convert_element_type3A, %convert_element_type3A_9, %dot_general3A_11 {dimension_numbers = #tpu.dot_dimension_numbers<[1], [0], [0], [1], [0, 0, 1, 1], [], []>, transpose_lhs_hint = false} : vector<512x2048xbf16>, vector<2048x768xbf16>, vector<512x768xf32> -> vector<512x768xf32>
    %add3A = arith.addf %dot_general3A_10, %dot_general3A_12 : vector<512x768xf32>
    %get3A_13 = arith.constant 0 : index
    %get3A_14 = arith.constant 0 : index
    %get3A_15 = arith.constant 0 : index
    %get3A_16 = vector.load %arg4[%get3A_13, %get3A_14, %get3A_15] : memref<1x768x768xf32, #tpu.memory_space<vmem>>, vector<1x768x768xf32>
    %get3A_17 = vector.shape_cast %get3A_16 : vector<1x768x768xf32> to vector<768x768xf32>
    %transpose3A = tpu.transpose %get3A_17, [1, 0] : vector<768x768xf32> -> vector<768x768xf32>
    %dot_general3A_18 = arith.constant dense<0.000000e+00> : vector<512x768xf32>
    %dot_general3A_19 = tpu.matmul %add3A, %transpose3A, %dot_general3A_18 {dimension_numbers = #tpu.dot_dimension_numbers<[1], [0], [0], [1], [0, 0, 1, 1], [], []>, transpose_lhs_hint = false} : vector<512x768xf32>, vector<768x768xf32>, vector<512x768xf32> -> vector<512x768xf32>
    %eq3A = arith.constant 0 : i32
    %eq3A_20 = arith.cmpi eq, %arg1, %eq3A : i32
    %convert_element_type3A_21 = arith.extui %eq3A_20 : i1 to i32
    %cond3A = arith.constant 0 : i32
    %cond3A_22 = arith.cmpi ne, %convert_element_type3A_21, %cond3A : i32
    scf.if %cond3A_22 {
      %get3A_32 = arith.constant 0 : index
      %get3A_33 = arith.constant 0 : index
      %get3A_34 = vector.load %arg5[%get3A_32, %get3A_33] : memref<512x768xf32, #tpu.memory_space<vmem>>, vector<512x768xf32>
      %add3A_35 = arith.addf %get3A_34, %dot_general3A_19 : vector<512x768xf32>
      %swap3A = arith.constant 0 : index
      %swap3A_36 = arith.constant 0 : index
      %swap3A_37 = vector.load %arg12[%swap3A, %swap3A_36] : memref<512x768xf32, #tpu.memory_space<vmem>>, vector<512x768xf32>
      tpu.vector_store %arg12[%swap3A, %swap3A_36], %add3A_35 {strides = array<i32>} : memref<512x768xf32, #tpu.memory_space<vmem>>, vector<512x768xf32>,
    } else {
    }
    %gt3A = arith.constant 0 : i32
    %gt3A_23 = arith.cmpi sgt, %arg1, %gt3A : i32
    %convert_element_type3A_24 = arith.extui %gt3A_23 : i1 to i32
    %cond3A_25 = arith.constant 0 : i32
    %cond3A_26 = arith.cmpi ne, %convert_element_type3A_24, %cond3A_25 : i32
    scf.if %cond3A_26 {
      %get3A_32 = arith.constant 0 : index
      %get3A_33 = arith.constant 0 : index
      %get3A_34 = vector.load %arg12[%get3A_32, %get3A_33] : memref<512x768xf32, #tpu.memory_space<vmem>>, vector<512x768xf32>
      %add3A_35 = arith.addf %get3A_34, %dot_general3A_19 : vector<512x768xf32>
      %swap3A = arith.constant 0 : index
      %swap3A_36 = arith.constant 0 : index
      %swap3A_37 = vector.load %arg12[%swap3A, %swap3A_36] : memref<512x768xf32, #tpu.memory_space<vmem>>, vector<512x768xf32>
      tpu.vector_store %arg12[%swap3A, %swap3A_36], %add3A_35 {strides = array<i32>} : memref<512x768xf32, #tpu.memory_space<vmem>>, vector<512x768xf32>,
    } else {
    }
    %eq3A_27 = arith.constant 4 : i32
    %eq3A_28 = arith.cmpi eq, %arg1, %eq3A_27 : i32
    %convert_element_type3A_29 = arith.extui %eq3A_28 : i1 to i32
    %cond3A_30 = arith.constant 0 : i32
    %cond3A_31 = arith.cmpi ne, %convert_element_type3A_29, %cond3A_30 : i32
    scf.if %cond3A_31 {
      %mul3A = arith.constant 512 : i32
      %mul3A_32 = arith.muli %arg0, %mul3A : i32
      %get3A_33 = arith.index_cast %mul3A_32 : i32 to index
      %get3A_34 = arith.constant 0 : index
      %get3A_35 = vector.load %arg3[%get3A_33, %get3A_34] : memref<2048x768xf32, #tpu.memory_space<vmem>>, vector<512x768xf32>
      %get3A_36 = arith.constant 0 : index
      %get3A_37 = arith.constant 0 : index
      %get3A_38 = vector.load %arg6[%get3A_36, %get3A_37] : memref<768x768xf32, #tpu.memory_space<vmem>>, vector<768x768xf32>
      %transpose3A_39 = tpu.transpose %get3A_38, [1, 0] : vector<768x768xf32> -> vector<768x768xf32>
      %dot_general3A_40 = arith.constant dense<0.000000e+00> : vector<512x768xf32>
      %dot_general3A_41 = tpu.matmul %get3A_35, %transpose3A_39, %dot_general3A_40 {dimension_numbers = #tpu.dot_dimension_numbers<[1], [0], [0], [1], [0, 0, 1, 1], [], []>, transpose_lhs_hint = false} : vector<512x768xf32>, vector<768x768xf32>, vector<512x768xf32> -> vector<512x768xf32>
      %get3A_42 = arith.constant 0 : index
      %get3A_43 = arith.constant 0 : index
      %get3A_44 = vector.load %arg12[%get3A_42, %get3A_43] : memref<512x768xf32, #tpu.memory_space<vmem>>, vector<512x768xf32>
      %get3A_45 = arith.constant 0 : index
      %get3A_46 = arith.constant 0 : index
      %get3A_47 = vector.load %arg7[%get3A_45, %get3A_46] : memref<768x768xf32, #tpu.memory_space<vmem>>, vector<768x768xf32>
      %transpose3A_48 = tpu.transpose %get3A_47, [1, 0] : vector<768x768xf32> -> vector<768x768xf32>
      %dot_general3A_49 = arith.constant dense<0.000000e+00> : vector<512x768xf32>
      %dot_general3A_50 = tpu.matmul %get3A_44, %transpose3A_48, %dot_general3A_49 {dimension_numbers = #tpu.dot_dimension_numbers<[1], [0], [0], [1], [0, 0, 1, 1], [], []>, transpose_lhs_hint = false} : vector<512x768xf32>, vector<768x768xf32>, vector<512x768xf32> -> vector<512x768xf32>
      %add3A_51 = arith.addf %dot_general3A_41, %dot_general3A_50 : vector<512x768xf32>
      %get3A_52 = arith.constant 0 : index
      %get3A_53 = arith.constant 0 : index
      %get3A_54 = vector.load %arg8[%get3A_52, %get3A_53] : memref<1x768xf32, #tpu.memory_space<vmem>>, vector<1x768xf32>
      %add3A_55 = vector.broadcast %get3A_54 : vector<1x768xf32> to vector<512x768xf32>
      %add3A_56 = arith.addf %add3A_51, %add3A_55 : vector<512x768xf32>
      %max3A = arith.constant 0.000000e+00 : f32
      %max3A_57 = vector.broadcast %max3A : f32 to vector<512x768xf32>
      %max3A_58 = arith.maximumf %add3A_56, %max3A_57 : vector<512x768xf32>
      %add3A_59 = arith.addf %get3A_35, %max3A_58 : vector<512x768xf32>
      %reduce_sum3A = arith.constant dense<0.000000e+00> : vector<512xf32>
      %reduce_sum3A_60 = vector.multi_reduction <add>, %add3A_59, %reduce_sum3A [1] : vector<512x768xf32> to vector<512xf32>
      %broadcast_in_dim3A = vector.shape_cast %reduce_sum3A_60 : vector<512xf32> to vector<512x1xf32>
      %div3A = arith.constant 7.680000e+02 : f32
      %div3A_61 = vector.broadcast %div3A : f32 to vector<512x1xf32>
      %div3A_62 = arith.divf %broadcast_in_dim3A, %div3A_61 : vector<512x1xf32>
      %sub3A_63 = vector.broadcast %div3A_62 : vector<512x1xf32> to vector<512x768xf32>
      %sub3A_64 = arith.subf %add3A_59, %sub3A_63 : vector<512x768xf32>
      %integer_pow3A = arith.mulf %sub3A_64, %sub3A_64 : vector<512x768xf32>
      %reduce_sum3A_65 = arith.constant dense<0.000000e+00> : vector<512xf32>
      %reduce_sum3A_66 = vector.multi_reduction <add>, %integer_pow3A, %reduce_sum3A_65 [1] : vector<512x768xf32> to vector<512xf32>
      %broadcast_in_dim3A_67 = vector.shape_cast %reduce_sum3A_66 : vector<512xf32> to vector<512x1xf32>
      %div3A_68 = arith.constant 7.680000e+02 : f32
      %div3A_69 = vector.broadcast %div3A_68 : f32 to vector<512x1xf32>
      %div3A_70 = arith.divf %broadcast_in_dim3A_67, %div3A_69 : vector<512x1xf32>
      %sub3A_71 = vector.broadcast %div3A_62 : vector<512x1xf32> to vector<512x768xf32>
      %sub3A_72 = arith.subf %add3A_59, %sub3A_71 : vector<512x768xf32>
      %add3A_73 = arith.constant 9.99999974E-6 : f32
      %add3A_74 = vector.broadcast %add3A_73 : f32 to vector<512x1xf32>
      %add3A_75 = arith.addf %div3A_70, %add3A_74 : vector<512x1xf32>
      %sqrt3A = math.sqrt %add3A_75 : vector<512x1xf32>
      %div3A_76 = vector.broadcast %sqrt3A : vector<512x1xf32> to vector<512x768xf32>
      %div3A_77 = arith.divf %sub3A_72, %div3A_76 : vector<512x768xf32>
      %get3A_78 = arith.constant 0 : index
      %get3A_79 = arith.constant 0 : index
      %get3A_80 = vector.load %arg9[%get3A_78, %get3A_79] : memref<1x768xf32, #tpu.memory_space<vmem>>, vector<1x768xf32>
      %mul3A_81 = vector.broadcast %get3A_80 : vector<1x768xf32> to vector<512x768xf32>
      %mul3A_82 = arith.mulf %div3A_77, %mul3A_81 : vector<512x768xf32>
      %get3A_83 = arith.constant 0 : index
      %get3A_84 = arith.constant 0 : index
      %get3A_85 = vector.load %arg10[%get3A_83, %get3A_84] : memref<1x768xf32, #tpu.memory_space<vmem>>, vector<1x768xf32>
      %add3A_86 = vector.broadcast %get3A_85 : vector<1x768xf32> to vector<512x768xf32>
      %add3A_87 = arith.addf %mul3A_82, %add3A_86 : vector<512x768xf32>
      %swap3A = arith.constant 0 : index
      %swap3A_88 = arith.constant 0 : index
      %swap3A_89 = vector.load %arg11[%swap3A, %swap3A_88] : memref<512x768xf32, #tpu.memory_space<vmem>>, vector<512x768xf32>
      tpu.vector_store %arg11[%swap3A, %swap3A_88], %add3A_87 {strides = array<i32>} : memref<512x768xf32, #tpu.memory_space<vmem>>, vector<512x768xf32>,
    } else {
    }
    return
  }
  func.func @transform_0(%arg0: i32, %arg1: i32) -> (i32, i32, i32) {
    %c0_i32 = arith.constant 0 : i32
    %c0_i32_0 = arith.constant 0 : i32
    return %arg1, %arg0, %c0_i32 : i32, i32, i32
  }
  func.func @transform_1(%arg0: i32, %arg1: i32) -> (i32, i32) {
    %c0_i32 = arith.constant 0 : i32
    %c0_i32_0 = arith.constant 0 : i32
    %c0_i32_1 = arith.constant 0 : i32
    return %c0_i32, %c0_i32_0 : i32, i32
  }
  func.func @transform_2(%arg0: i32, %arg1: i32) -> (i32, i32, i32) {
    %c0_i32 = arith.constant 0 : i32
    %c0_i32_0 = arith.constant 0 : i32
    %c0_i32_1 = arith.constant 0 : i32
    return %arg1, %c0_i32, %c0_i32_0 : i32, i32, i32
  }
  func.func @transform_3(%arg0: i32, %arg1: i32) -> (i32, i32) {
    %c0_i32 = arith.constant 0 : i32
    %c0_i32_0 = arith.constant 0 : i32
    return %arg0, %c0_i32 : i32, i32
  }
  func.func @transform_4(%arg0: i32, %arg1: i32) -> (i32, i32) {
    %c0_i32 = arith.constant 0 : i32
    %c0_i32_0 = arith.constant 0 : i32
    %c0_i32_1 = arith.constant 0 : i32
    return %c0_i32, %c0_i32_0 : i32, i32
  }
  func.func @transform_5(%arg0: i32, %arg1: i32) -> (i32, i32) {
    %c0_i32 = arith.constant 0 : i32
    %c0_i32_0 = arith.constant 0 : i32
    %c0_i32_1 = arith.constant 0 : i32
    return %c0_i32, %c0_i32_0 : i32, i32
  }
  func.func @transform_6(%arg0: i32, %arg1: i32) -> (i32, i32) {
    %c0_i32 = arith.constant 0 : i32
    %c0_i32_0 = arith.constant 0 : i32
    %c0_i32_1 = arith.constant 0 : i32
    return %c0_i32, %c0_i32_0 : i32, i32
  }
  func.func @transform_7(%arg0: i32, %arg1: i32) -> (i32, i32) {
    %c0_i32 = arith.constant 0 : i32
    %c0_i32_0 = arith.constant 0 : i32
    %c0_i32_1 = arith.constant 0 : i32
    return %c0_i32, %c0_i32_0 : i32, i32
  }
  func.func @transform_8(%arg0: i32, %arg1: i32) -> (i32, i32) {
    %c0_i32 = arith.constant 0 : i32
    %c0_i32_0 = arith.constant 0 : i32
    %c0_i32_1 = arith.constant 0 : i32
    return %c0_i32, %c0_i32_0 : i32, i32
  }
  func.func @transform_9(%arg0: i32, %arg1: i32) -> (i32, i32) {
    %c0_i32 = arith.constant 0 : i32
    %c0_i32_0 = arith.constant 0 : i32
    return %arg0, %c0_i32 : i32, i32
  }
}

module attributes {stable_mosaic.version = 14 : i64} {
  func.func @_qkv_body(%arg0: i32, %arg1: i32, %arg2: memref<2048x768xf32, #tpu.memory_space<vmem>>, %arg3: memref<1x1x96x768xf32, #tpu.memory_space<vmem>>, %arg4: memref<1x1x1x96xf32, #tpu.memory_space<vmem>>, %arg5: memref<1x1x2048x96xf32, #tpu.memory_space<vmem>>) attributes {dimension_semantics = [#tpu.dimension_semantics<arbitrary>, #tpu.dimension_semantics<arbitrary>], iteration_bounds = array<i64: 3, 8>, scalar_prefetch = 0 : i64, scratch_operands = 0 : i64, tpu.core_type = #tpu.core_type<tc>, window_params = [{pipeline_mode = #tpu.pipeline_mode<synchronous>, transform_indices = @transform_0, window_bounds = array<i64: 2048, 768>}, {transform_indices = @transform_1, window_bounds = array<i64: 1, 1, 96, 768>}, {transform_indices = @transform_2, window_bounds = array<i64: 1, 1, 1, 96>}, {transform_indices = @transform_3, window_bounds = array<i64: 1, 1, 2048, 96>}]} {
    %get3A = arith.constant 0 : index
    %get3A_0 = arith.constant 0 : index
    %get3A_1 = vector.load %arg2[%get3A, %get3A_0] : memref<2048x768xf32, #tpu.memory_space<vmem>>, vector<2048x768xf32>
    %get3A_2 = arith.constant 0 : index
    %get3A_3 = arith.constant 0 : index
    %get3A_4 = arith.constant 0 : index
    %get3A_5 = arith.constant 0 : index
    %get3A_6 = vector.load %arg3[%get3A_2, %get3A_3, %get3A_4, %get3A_5] : memref<1x1x96x768xf32, #tpu.memory_space<vmem>>, vector<1x1x96x768xf32>
    %get3A_7 = vector.shape_cast %get3A_6 : vector<1x1x96x768xf32> to vector<96x768xf32>
    %transpose3A = tpu.transpose %get3A_7, [1, 0] : vector<96x768xf32> -> vector<768x96xf32>
    %dot_general3A = arith.constant dense<0.000000e+00> : vector<2048x96xf32>
    %dot_general3A_8 = tpu.matmul %get3A_1, %transpose3A, %dot_general3A {dimension_numbers = #tpu.dot_dimension_numbers<[1], [0], [0], [1], [0, 0, 1, 1], [], []>, transpose_lhs_hint = false} : vector<2048x768xf32>, vector<768x96xf32>, vector<2048x96xf32> -> vector<2048x96xf32>
    %get3A_9 = arith.constant 0 : index
    %get3A_10 = arith.constant 0 : index
    %get3A_11 = arith.constant 0 : index
    %get3A_12 = arith.constant 0 : index
    %get3A_13 = vector.load %arg4[%get3A_9, %get3A_10, %get3A_11, %get3A_12] : memref<1x1x1x96xf32, #tpu.memory_space<vmem>>, vector<1x1x1x96xf32>
    %get3A_14 = vector.shape_cast %get3A_13 : vector<1x1x1x96xf32> to vector<1x96xf32>
    %add3A = vector.broadcast %get3A_14 : vector<1x96xf32> to vector<2048x96xf32>
    %add3A_15 = arith.addf %dot_general3A_8, %add3A : vector<2048x96xf32>
    %swap3A = arith.constant 0 : index
    %swap3A_16 = arith.constant 0 : index
    %swap3A_17 = arith.constant 0 : index
    %swap3A_18 = arith.constant 0 : index
    %swap3A_19 = vector.load %arg5[%swap3A, %swap3A_16, %swap3A_17, %swap3A_18] : memref<1x1x2048x96xf32, #tpu.memory_space<vmem>>, vector<1x1x2048x96xf32>
    %swap3A_20 = vector.shape_cast %swap3A_19 : vector<1x1x2048x96xf32> to vector<2048x96xf32>
    %swap3A_21 = vector.shape_cast %add3A_15 : vector<2048x96xf32> to vector<1x1x2048x96xf32>
    tpu.vector_store %arg5[%swap3A, %swap3A_16, %swap3A_17, %swap3A_18], %swap3A_21 {strides = array<i32>} : memref<1x1x2048x96xf32, #tpu.memory_space<vmem>>, vector<1x1x2048x96xf32>,
    return
  }
  func.func @transform_0(%arg0: i32, %arg1: i32) -> (i32, i32) {
    %c0_i32 = arith.constant 0 : i32
    %c0_i32_0 = arith.constant 0 : i32
    %c0_i32_1 = arith.constant 0 : i32
    return %c0_i32, %c0_i32_0 : i32, i32
  }
  func.func @transform_1(%arg0: i32, %arg1: i32) -> (i32, i32, i32, i32) {
    %c0_i32 = arith.constant 0 : i32
    %c0_i32_0 = arith.constant 0 : i32
    %c0_i32_1 = arith.constant 0 : i32
    return %arg0, %arg1, %c0_i32, %c0_i32_0 : i32, i32, i32, i32
  }
  func.func @transform_2(%arg0: i32, %arg1: i32) -> (i32, i32, i32, i32) {
    %c0_i32 = arith.constant 0 : i32
    %c0_i32_0 = arith.constant 0 : i32
    %c0_i32_1 = arith.constant 0 : i32
    return %arg0, %arg1, %c0_i32, %c0_i32_0 : i32, i32, i32, i32
  }
  func.func @transform_3(%arg0: i32, %arg1: i32) -> (i32, i32, i32, i32) {
    %c0_i32 = arith.constant 0 : i32
    %c0_i32_0 = arith.constant 0 : i32
    %c0_i32_1 = arith.constant 0 : i32
    return %arg0, %arg1, %c0_i32, %c0_i32_0 : i32, i32, i32, i32
  }
}

module attributes {stable_mosaic.version = 14 : i64} {
  func.func @_attn_body(%arg0: i32, %arg1: i32, %arg2: memref<1x1x1024x96xf32, #tpu.memory_space<vmem>>, %arg3: memref<1x1x2048x96xf32, #tpu.memory_space<vmem>>, %arg4: memref<1x1x2048x96xf32, #tpu.memory_space<vmem>>, %arg5: memref<1x1024x96xf32, #tpu.memory_space<vmem>>, %arg6: memref<1024x2048xf32, #tpu.memory_space<vmem>>) attributes {dimension_semantics = [#tpu.dimension_semantics<arbitrary>, #tpu.dimension_semantics<arbitrary>], iteration_bounds = array<i64: 2, 8>, scalar_prefetch = 0 : i64, scratch_operands = 0 : i64, tpu.core_type = #tpu.core_type<tc>, window_params = [{transform_indices = @transform_0, window_bounds = array<i64: 1, 1, 1024, 96>}, {transform_indices = @transform_1, window_bounds = array<i64: 1, 1, 2048, 96>}, {transform_indices = @transform_2, window_bounds = array<i64: 1, 1, 2048, 96>}, {transform_indices = @transform_3, window_bounds = array<i64: 1, 1024, 96>}, {transform_indices = @transform_4, window_bounds = array<i64: 1024, 2048>}]} {
    %get3A = arith.constant 0 : index
    %get3A_0 = arith.constant 0 : index
    %get3A_1 = arith.constant 0 : index
    %get3A_2 = arith.constant 0 : index
    %get3A_3 = vector.load %arg2[%get3A, %get3A_0, %get3A_1, %get3A_2] : memref<1x1x1024x96xf32, #tpu.memory_space<vmem>>, vector<1x1x1024x96xf32>
    %get3A_4 = vector.shape_cast %get3A_3 : vector<1x1x1024x96xf32> to vector<1024x96xf32>
    %get3A_5 = arith.constant 0 : index
    %get3A_6 = arith.constant 0 : index
    %get3A_7 = arith.constant 0 : index
    %get3A_8 = arith.constant 0 : index
    %get3A_9 = vector.load %arg3[%get3A_5, %get3A_6, %get3A_7, %get3A_8] : memref<1x1x2048x96xf32, #tpu.memory_space<vmem>>, vector<1x1x2048x96xf32>
    %get3A_10 = vector.shape_cast %get3A_9 : vector<1x1x2048x96xf32> to vector<2048x96xf32>
    %get3A_11 = arith.constant 0 : index
    %get3A_12 = arith.constant 0 : index
    %get3A_13 = arith.constant 0 : index
    %get3A_14 = arith.constant 0 : index
    %get3A_15 = vector.load %arg4[%get3A_11, %get3A_12, %get3A_13, %get3A_14] : memref<1x1x2048x96xf32, #tpu.memory_space<vmem>>, vector<1x1x2048x96xf32>
    %get3A_16 = vector.shape_cast %get3A_15 : vector<1x1x2048x96xf32> to vector<2048x96xf32>
    %transpose3A = tpu.transpose %get3A_10, [1, 0] : vector<2048x96xf32> -> vector<96x2048xf32>
    %dot_general3A = arith.constant dense<0.000000e+00> : vector<1024x2048xf32>
    %dot_general3A_17 = tpu.matmul %get3A_4, %transpose3A, %dot_general3A {dimension_numbers = #tpu.dot_dimension_numbers<[1], [0], [0], [1], [0, 0, 1, 1], [], []>, transpose_lhs_hint = false} : vector<1024x96xf32>, vector<96x2048xf32>, vector<1024x2048xf32> -> vector<1024x2048xf32>
    %mul3A = arith.constant 0.102062076 : f32
    %mul3A_18 = vector.broadcast %mul3A : f32 to vector<1024x2048xf32>
    %mul3A_19 = arith.mulf %dot_general3A_17, %mul3A_18 : vector<1024x2048xf32>
    %reduce_max3A = arith.constant dense<0xFF800000> : vector<1024xf32>
    %reduce_max3A_20 = vector.multi_reduction <maximumf>, %mul3A_19, %reduce_max3A [1] : vector<1024x2048xf32> to vector<1024xf32>
    %broadcast_in_dim3A = vector.shape_cast %reduce_max3A_20 : vector<1024xf32> to vector<1024x1xf32>
    %sub3A = vector.broadcast %broadcast_in_dim3A : vector<1024x1xf32> to vector<1024x2048xf32>
    %sub3A_21 = arith.subf %mul3A_19, %sub3A : vector<1024x2048xf32>
    %exp3A = math.exp %sub3A_21 : vector<1024x2048xf32>
    %reduce_sum3A = arith.constant dense<0.000000e+00> : vector<1024xf32>
    %reduce_sum3A_22 = vector.multi_reduction <add>, %exp3A, %reduce_sum3A [1] : vector<1024x2048xf32> to vector<1024xf32>
    %broadcast_in_dim3A_23 = vector.shape_cast %reduce_sum3A_22 : vector<1024xf32> to vector<1024x1xf32>
    %div3A = arith.constant 1.000000e+00 : f32
    %div3A_24 = vector.broadcast %div3A : f32 to vector<1024x1xf32>
    %div3A_25 = arith.divf %div3A_24, %broadcast_in_dim3A_23 : vector<1024x1xf32>
    %mul3A_26 = vector.broadcast %div3A_25 : vector<1024x1xf32> to vector<1024x2048xf32>
    %mul3A_27 = arith.mulf %exp3A, %mul3A_26 : vector<1024x2048xf32>
    %dot_general3A_28 = arith.constant dense<0.000000e+00> : vector<1024x96xf32>
    %dot_general3A_29 = tpu.matmul %mul3A_27, %get3A_16, %dot_general3A_28 {dimension_numbers = #tpu.dot_dimension_numbers<[1], [0], [0], [1], [0, 0, 1, 1], [], []>, transpose_lhs_hint = false} : vector<1024x2048xf32>, vector<2048x96xf32>, vector<1024x96xf32> -> vector<1024x96xf32>
    %swap3A = arith.constant 0 : index
    %swap3A_30 = arith.constant 0 : index
    %swap3A_31 = arith.constant 0 : index
    %swap3A_32 = vector.load %arg5[%swap3A, %swap3A_30, %swap3A_31] : memref<1x1024x96xf32, #tpu.memory_space<vmem>>, vector<1x1024x96xf32>
    %swap3A_33 = vector.shape_cast %swap3A_32 : vector<1x1024x96xf32> to vector<1024x96xf32>
    %swap3A_34 = vector.shape_cast %dot_general3A_29 : vector<1024x96xf32> to vector<1x1024x96xf32>
    tpu.vector_store %arg5[%swap3A, %swap3A_30, %swap3A_31], %swap3A_34 {strides = array<i32>} : memref<1x1024x96xf32, #tpu.memory_space<vmem>>, vector<1x1024x96xf32>,
    %eq3A = arith.constant 0 : i32
    %eq3A_35 = arith.cmpi eq, %arg1, %eq3A : i32
    %convert_element_type3A = arith.extui %eq3A_35 : i1 to i32
    %cond3A = arith.constant 0 : i32
    %cond3A_36 = arith.cmpi ne, %convert_element_type3A, %cond3A : i32
    scf.if %cond3A_36 {
      %mul3A_41 = arith.constant 1.250000e-01 : f32
      %mul3A_42 = vector.broadcast %mul3A_41 : f32 to vector<1024x2048xf32>
      %mul3A_43 = arith.mulf %mul3A_27, %mul3A_42 : vector<1024x2048xf32>
      %swap3A_44 = arith.constant 0 : index
      %swap3A_45 = arith.constant 0 : index
      %swap3A_46 = vector.load %arg6[%swap3A_44, %swap3A_45] : memref<1024x2048xf32, #tpu.memory_space<vmem>>, vector<1024x2048xf32>
      tpu.vector_store %arg6[%swap3A_44, %swap3A_45], %mul3A_43 {strides = array<i32>} : memref<1024x2048xf32, #tpu.memory_space<vmem>>, vector<1024x2048xf32>,
    } else {
    }
    %ne3A = arith.constant 0 : i32
    %ne3A_37 = arith.cmpi ne, %arg1, %ne3A : i32
    %convert_element_type3A_38 = arith.extui %ne3A_37 : i1 to i32
    %cond3A_39 = arith.constant 0 : i32
    %cond3A_40 = arith.cmpi ne, %convert_element_type3A_38, %cond3A_39 : i32
    scf.if %cond3A_40 {
      %get3A_41 = arith.constant 0 : index
      %get3A_42 = arith.constant 0 : index
      %get3A_43 = vector.load %arg6[%get3A_41, %get3A_42] : memref<1024x2048xf32, #tpu.memory_space<vmem>>, vector<1024x2048xf32>
      %mul3A_44 = arith.constant 1.250000e-01 : f32
      %mul3A_45 = vector.broadcast %mul3A_44 : f32 to vector<1024x2048xf32>
      %mul3A_46 = arith.mulf %mul3A_27, %mul3A_45 : vector<1024x2048xf32>
      %add3A = arith.addf %get3A_43, %mul3A_46 : vector<1024x2048xf32>
      %swap3A_47 = arith.constant 0 : index
      %swap3A_48 = arith.constant 0 : index
      %swap3A_49 = vector.load %arg6[%swap3A_47, %swap3A_48] : memref<1024x2048xf32, #tpu.memory_space<vmem>>, vector<1024x2048xf32>
      tpu.vector_store %arg6[%swap3A_47, %swap3A_48], %add3A {strides = array<i32>} : memref<1024x2048xf32, #tpu.memory_space<vmem>>, vector<1024x2048xf32>,
    } else {
    }
    return
  }
  func.func @transform_0(%arg0: i32, %arg1: i32) -> (i32, i32, i32, i32) {
    %c0_i32 = arith.constant 0 : i32
    %c0_i32_0 = arith.constant 0 : i32
    %c0_i32_1 = arith.constant 0 : i32
    return %c0_i32, %arg1, %arg0, %c0_i32_0 : i32, i32, i32, i32
  }
  func.func @transform_1(%arg0: i32, %arg1: i32) -> (i32, i32, i32, i32) {
    %c1_i32 = arith.constant 1 : i32
    %c0_i32 = arith.constant 0 : i32
    %c0_i32_0 = arith.constant 0 : i32
    %c0_i32_1 = arith.constant 0 : i32
    return %c1_i32, %arg1, %c0_i32, %c0_i32_0 : i32, i32, i32, i32
  }
  func.func @transform_2(%arg0: i32, %arg1: i32) -> (i32, i32, i32, i32) {
    %c2_i32 = arith.constant 2 : i32
    %c0_i32 = arith.constant 0 : i32
    %c0_i32_0 = arith.constant 0 : i32
    %c0_i32_1 = arith.constant 0 : i32
    return %c2_i32, %arg1, %c0_i32, %c0_i32_0 : i32, i32, i32, i32
  }
  func.func @transform_3(%arg0: i32, %arg1: i32) -> (i32, i32, i32) {
    %c0_i32 = arith.constant 0 : i32
    %c0_i32_0 = arith.constant 0 : i32
    return %arg1, %arg0, %c0_i32 : i32, i32, i32
  }
  func.func @transform_4(%arg0: i32, %arg1: i32) -> (i32, i32) {
    %c0_i32 = arith.constant 0 : i32
    %c0_i32_0 = arith.constant 0 : i32
    return %arg0, %c0_i32 : i32, i32
  }
}

module attributes {stable_mosaic.version = 14 : i64} {
  func.func @_out_body(%arg0: i32, %arg1: memref<1x2048x96xf32, #tpu.memory_space<vmem>>, %arg2: memref<1x96x768xf32, #tpu.memory_space<vmem>>, %arg3: memref<1x768xf32, #tpu.memory_space<vmem>>, %arg4: memref<2048x768xf32, #tpu.memory_space<vmem>>, %arg5: memref<1x768xf32, #tpu.memory_space<vmem>>) attributes {dimension_semantics = [#tpu.dimension_semantics<arbitrary>], iteration_bounds = array<i64: 8>, scalar_prefetch = 0 : i64, scratch_operands = 0 : i64, tpu.core_type = #tpu.core_type<tc>, window_params = [{transform_indices = @transform_0, window_bounds = array<i64: 1, 2048, 96>}, {transform_indices = @transform_1, window_bounds = array<i64: 1, 96, 768>}, {pipeline_mode = #tpu.pipeline_mode<synchronous>, transform_indices = @transform_2, window_bounds = array<i64: 1, 768>}, {pipeline_mode = #tpu.pipeline_mode<synchronous>, transform_indices = @transform_3, window_bounds = array<i64: 2048, 768>}, {pipeline_mode = #tpu.pipeline_mode<synchronous>, transform_indices = @transform_4, window_bounds = array<i64: 1, 768>}]} {
    %get3A = arith.constant 0 : index
    %get3A_0 = arith.constant 0 : index
    %get3A_1 = arith.constant 0 : index
    %get3A_2 = vector.load %arg1[%get3A, %get3A_0, %get3A_1] : memref<1x2048x96xf32, #tpu.memory_space<vmem>>, vector<1x2048x96xf32>
    %get3A_3 = vector.shape_cast %get3A_2 : vector<1x2048x96xf32> to vector<2048x96xf32>
    %get3A_4 = arith.constant 0 : index
    %get3A_5 = arith.constant 0 : index
    %get3A_6 = arith.constant 0 : index
    %get3A_7 = vector.load %arg2[%get3A_4, %get3A_5, %get3A_6] : memref<1x96x768xf32, #tpu.memory_space<vmem>>, vector<1x96x768xf32>
    %get3A_8 = vector.shape_cast %get3A_7 : vector<1x96x768xf32> to vector<96x768xf32>
    %dot_general3A = arith.constant dense<0.000000e+00> : vector<2048x768xf32>
    %dot_general3A_9 = tpu.matmul %get3A_3, %get3A_8, %dot_general3A {dimension_numbers = #tpu.dot_dimension_numbers<[1], [0], [0], [1], [0, 0, 1, 1], [], []>, transpose_lhs_hint = false} : vector<2048x96xf32>, vector<96x768xf32>, vector<2048x768xf32> -> vector<2048x768xf32>
    %eq3A = arith.constant 0 : i32
    %eq3A_10 = arith.cmpi eq, %arg0, %eq3A : i32
    %convert_element_type3A = arith.extui %eq3A_10 : i1 to i32
    %cond3A = arith.constant 0 : i32
    %cond3A_11 = arith.cmpi ne, %convert_element_type3A, %cond3A : i32
    scf.if %cond3A_11 {
      %get3A_21 = arith.constant 0 : index
      %get3A_22 = arith.constant 0 : index
      %get3A_23 = vector.load %arg3[%get3A_21, %get3A_22] : memref<1x768xf32, #tpu.memory_space<vmem>>, vector<1x768xf32>
      %add3A = vector.broadcast %get3A_23 : vector<1x768xf32> to vector<2048x768xf32>
      %add3A_24 = arith.addf %dot_general3A_9, %add3A : vector<2048x768xf32>
      %swap3A = arith.constant 0 : index
      %swap3A_25 = arith.constant 0 : index
      %swap3A_26 = vector.load %arg4[%swap3A, %swap3A_25] : memref<2048x768xf32, #tpu.memory_space<vmem>>, vector<2048x768xf32>
      tpu.vector_store %arg4[%swap3A, %swap3A_25], %add3A_24 {strides = array<i32>} : memref<2048x768xf32, #tpu.memory_space<vmem>>, vector<2048x768xf32>,
    } else {
    }
    %gt3A = arith.constant 0 : i32
    %gt3A_12 = arith.cmpi sgt, %arg0, %gt3A : i32
    %convert_element_type3A_13 = arith.extui %gt3A_12 : i1 to i32
    %cond3A_14 = arith.constant 0 : i32
    %cond3A_15 = arith.cmpi ne, %convert_element_type3A_13, %cond3A_14 : i32
    scf.if %cond3A_15 {
      %get3A_21 = arith.constant 0 : index
      %get3A_22 = arith.constant 0 : index
      %get3A_23 = vector.load %arg4[%get3A_21, %get3A_22] : memref<2048x768xf32, #tpu.memory_space<vmem>>, vector<2048x768xf32>
      %add3A = arith.addf %get3A_23, %dot_general3A_9 : vector<2048x768xf32>
      %swap3A = arith.constant 0 : index
      %swap3A_24 = arith.constant 0 : index
      %swap3A_25 = vector.load %arg4[%swap3A, %swap3A_24] : memref<2048x768xf32, #tpu.memory_space<vmem>>, vector<2048x768xf32>
      tpu.vector_store %arg4[%swap3A, %swap3A_24], %add3A {strides = array<i32>} : memref<2048x768xf32, #tpu.memory_space<vmem>>, vector<2048x768xf32>,
    } else {
    }
    %eq3A_16 = arith.constant 7 : i32
    %eq3A_17 = arith.cmpi eq, %arg0, %eq3A_16 : i32
    %convert_element_type3A_18 = arith.extui %eq3A_17 : i1 to i32
    %cond3A_19 = arith.constant 0 : i32
    %cond3A_20 = arith.cmpi ne, %convert_element_type3A_18, %cond3A_19 : i32
    scf.if %cond3A_20 {
      %get3A_21 = arith.constant 0 : index
      %get3A_22 = arith.constant 0 : index
      %get3A_23 = vector.load %arg4[%get3A_21, %get3A_22] : memref<2048x768xf32, #tpu.memory_space<vmem>>, vector<2048x768xf32>
      %reduce_sum3A = arith.constant dense<0.000000e+00> : vector<768xf32>
      %reduce_sum3A_24 = vector.multi_reduction <add>, %get3A_23, %reduce_sum3A [0] : vector<2048x768xf32> to vector<768xf32>
      %broadcast_in_dim3A = vector.shape_cast %reduce_sum3A_24 : vector<768xf32> to vector<1x768xf32>
      %mul3A = arith.constant 4.8828125E-4 : f32
      %mul3A_25 = vector.broadcast %mul3A : f32 to vector<1x768xf32>
      %mul3A_26 = arith.mulf %broadcast_in_dim3A, %mul3A_25 : vector<1x768xf32>
      %swap3A = arith.constant 0 : index
      %swap3A_27 = arith.constant 0 : index
      %swap3A_28 = vector.load %arg5[%swap3A, %swap3A_27] : memref<1x768xf32, #tpu.memory_space<vmem>>, vector<1x768xf32>
      tpu.vector_store %arg5[%swap3A, %swap3A_27], %mul3A_26 {strides = array<i32>} : memref<1x768xf32, #tpu.memory_space<vmem>>, vector<1x768xf32>,
    } else {
    }
    return
  }
  func.func @transform_0(%arg0: i32) -> (i32, i32, i32) {
    %c0_i32 = arith.constant 0 : i32
    %c0_i32_0 = arith.constant 0 : i32
    %c0_i32_1 = arith.constant 0 : i32
    return %arg0, %c0_i32, %c0_i32_0 : i32, i32, i32
  }
  func.func @transform_1(%arg0: i32) -> (i32, i32, i32) {
    %c0_i32 = arith.constant 0 : i32
    %c0_i32_0 = arith.constant 0 : i32
    %c0_i32_1 = arith.constant 0 : i32
    return %arg0, %c0_i32, %c0_i32_0 : i32, i32, i32
  }
  func.func @transform_2(%arg0: i32) -> (i32, i32) {
    %c0_i32 = arith.constant 0 : i32
    %c0_i32_0 = arith.constant 0 : i32
    %c0_i32_1 = arith.constant 0 : i32
    return %c0_i32, %c0_i32_0 : i32, i32
  }
  func.func @transform_3(%arg0: i32) -> (i32, i32) {
    %c0_i32 = arith.constant 0 : i32
    %c0_i32_0 = arith.constant 0 : i32
    %c0_i32_1 = arith.constant 0 : i32
    return %c0_i32, %c0_i32_0 : i32, i32
  }
  func.func @transform_4(%arg0: i32) -> (i32, i32) {
    %c0_i32 = arith.constant 0 : i32
    %c0_i32_0 = arith.constant 0 : i32
    %c0_i32_1 = arith.constant 0 : i32
    return %c0_i32, %c0_i32_0 : i32, i32
  }
}

</mosaic_0001>

<sc_bundles>
// kernel: scatter_offload_async_start
scs
__scs_entry_jumppad:
0x0: {  	(pc) =	sbr.rel $0x88, $3  }
0x1: {  	(tag) =	ssettag $0x0;
	lr =	simm.s32 $0x1  }
0x2: {  	[smem:$0x3F8A] =	sst lr;
	_ =	strace $0xD0000000  }
0x3: {  	_ = 	snop  }
0x4: {  	_ = 	snop  }
0x5: {  	_ = 	snop  }
0x6: {  	_ = 	snop  }
0x7: {  	_ = 	snop  }
__scs_overlays_trampoline_lowered:
0x8: {  	[smem:$0x3F99] =	sst s0  }
0x9: {  	[smem:$0x3F9A] =	sst s1  }
0xa: {  	[smem:$0x3F9B] =	sst s2  }
0xb: {  	[smem:$0x3F9C] =	sst s3  }
0xc: {  	[smem:$0x3F9D] =	sst s4  }
0xd: {  	[smem:$0x3F9E] =	sst s5  }
0xe: {  	[smem:$0x3F9F] =	sst s6  }
0xf: {  	[smem:$0x3FA0] =	sst s7  }
0x10: {  	[smem:$0x3FA1] =	sst s8  }
0x11: {  	[smem:$0x3FA2] =	sst s9;
	s0 =	simm.s32 @!p0 $0x0  }
0x12: {  	s1 =	sld [smem:$0x3F88];
	s0 =	simm.s32 @p0 $0x1  }
0x13: {  	[smem:$0x3FA3] =	sst s0;
	s0 =	simm.s32 @!p1 $0x0  }
0x14: {  	s2 =	sld [smem:$0x3F87];
	s0 =	simm.s32 @p1 $0x1  }
0x15: {  	[smem:$0x3FA4] =	sst s0;
	s0 =	simm.s32 @!p2 $0x0  }
0x16: {  	s3 =	sld [smem:$0x3FDB];
	s0 =	simm.s32 @p2 $0x1  }
0x17: {  	s4 =	simm.s32 $0x1BF5;
	[smem:$0x3FA6] =	sst s0  }
0x18: {  	s0 =	sld [smem:$0x3F89];
	_ =	swait.ge [sflag:s4], $0x0  }
0x19: {  	s7 =	sld [smem:$0x3F8A]  }
0x1a: {  	s8 =	sadd.s32 $0xFFFFE003, lr  }
0x1b: {  	s9 =	sadd.s32 $0xFFFFFEF7, lr;
	s5 =	simm.s32 $0xFFFFFFFF;
	p2 =	slt.u32 s8, $0xFFFFF086  }
0x1c: {  	p1 =	slt.u32 s9, $0xF7A;
	s5 =	simm.s32 @!p2 $0x0  }
0x1d: {  	s5 =	simm.s32 @p1 $0x1;
	p0 =	seq.s32 s7, s2  }
0x1e: {  	s7 =	smul.u32 @!p0 $0xF7A, s2;
	p2 =	seq.s32 @!p0 s5, $0x0  }
0x1f: {  	s9 =	smul.u32 $0xF7A, s1;
	s8 =	simm.s32 @!p0 $0x1BF5;
	p2 =	por !p2, p0  }
0x20: {  	[sflag:s8] =	ssyncset.s32 @!p0 $0xFFFFF086;
	s6 =	sadd.s32 @!p0 s3, s7;
	s7 =	simm.s32 @!p0 $0x108  }
0x21: {  	s3 =	sadd.s32 s3, s9;
	s6 =	sadd.s32 @!p0 $0x88, s6;
	s7 =	simm.s32 @p2 $0x1082  }
0x22: {  	[simem:s7], [sflag:s8] =	dma.local @!p0 [hbm:s6], $0xF7A  }
0x23: {  	s9 =	sor.u32 $0xD0000000, s2;
	s6 =	simm.s32 $0x108;
	_ =	swait.ge @!p0 [sflag:s8], $0x0  }
0x24: {  	s3 =	sadd.s32 $0x88, s3;
	s6 =	simm.s32 @!p1 $0x1082;
	[sflag:s4] =	ssyncset.s32 $0xFFFFF086  }
0x25: {  	[simem:s6], [sflag:s4] =	dma.local [hbm:s3], $0xF7A  }
0x26: {  	[smem:$0x3F8A] =	sst s1;
	(tag) =	ssettag s2;
	_ =	strace s9  }
0x27: {  	s1 =	sld [smem:$0x3F9A]  }
0x28: {  	s2 =	sld [smem:$0x3F9B]  }
0x29: {  	s4 =	sld [smem:$0x3F9D]  }
0x2a: {  	p0 =	seq.s32 s5, $0x0;
	s5 =	sld [smem:$0x3F9E]  }
0x2b: {  	s6 =	sld [smem:$0x3F9F]  }
0x2c: {  	s7 =	sld [smem:$0x3FA0]  }
0x2d: {  	s3 =	simm.s32 $0x108;
	s8 =	sld [smem:$0x3FA1]  }
0x2e: {  	s3 =	simm.s32 @!p0 $0x1082;
	s9 =	sld [smem:$0x3FA2]  }
0x2f: {  	lr =	sadd.s32 s0, s3;
	s0 =	sld [smem:$0x3F99]  }
0x30: {  	s3 =	sld [smem:$0x3F9C]  }
0x31: {  	[smem:$0x3FA5] =	sst s10  }
0x32: {  	s10 =	sld [smem:$0x3FA3];
	_ =	sdelay $0x3  }
0x33: {  	p0 =	seq.s32 s10, $0x1;
	s10 =	sld [smem:$0x3FA5];
	_ =	sdelay $0x3  }
0x34: {  	[smem:$0x3FA5] =	sst s10  }
0x35: {  	s10 =	sld [smem:$0x3FA4];
	_ =	sdelay $0x3  }
0x36: {  	p1 =	seq.s32 s10, $0x1;
	s10 =	sld [smem:$0x3FA5];
	_ =	sdelay $0x3  }
0x37: {  	[smem:$0x3FA5] =	sst s10  }
0x38: {  	s10 =	sld [smem:$0x3FA6]  }
0x39: {  	_ = 	snop;
	(pc) =	sbr.ind lr, $3  }
0x3a: {  	_ = 	snop  }
0x3b: {  	_ = 	snop  }
0x3c: {  	p2 =	seq.s32 s10, $0x1;
	s10 =	sld [smem:$0x3FA5]  }
0x3d: {  	_ =	shalt  }
0x3e: {  	_ =	shalt  }
0x3f: {  	_ =	shalt  }
0x40: {  	_ =	shalt  }
0x41: {  	_ =	shalt  }
0x42: {  	_ =	shalt  }
0x43: {  	_ =	shalt  }
0x44: {  	_ =	shalt  }
0x45: {  	_ =	shalt  }
0x46: {  	_ =	shalt  }
0x47: {  	_ =	shalt  }
0x48: {  	_ =	shalt  }
0x49: {  	_ =	shalt  }
0x4a: {  	_ =	shalt  }
0x4b: {  	_ =	shalt  }
0x4c: {  	_ =	shalt  }
0x4d: {  	_ =	shalt  }
0x4e: {  	_ =	shalt  }
0x4f: {  	_ =	shalt  }
0x50: {  	_ =	shalt  }
0x51: {  	_ =	shalt  }
0x52: {  	_ =	shalt  }
0x53: {  	_ =	shalt  }
0x54: {  	_ =	shalt  }
0x55: {  	_ =	shalt  }
0x56: {  	_ =	shalt  }
0x57: {  	_ =	shalt  }
0x58: {  	_ =	shalt  }
0x59: {  	_ =	shalt  }
0x5a: {  	_ =	shalt  }
0x5b: {  	_ =	shalt  }
0x5c: {  	_ =	shalt  }
0x5d: {  	_ =	shalt  }
0x5e: {  	_ =	shalt  }
0x5f: {  	_ =	shalt  }
0x60: {  	_ =	shalt  }
0x61: {  	_ =	shalt  }
0x62: {  	_ =	shalt  }
0x63: {  	_ =	shalt  }
0x64: {  	_ =	shalt  }
0x65: {  	_ =	shalt  }
0x66: {  	_ =	shalt  }
0x67: {  	_ =	shalt  }
0x68: {  	_ =	shalt  }
0x69: {  	_ =	shalt  }
0x6a: {  	_ =	shalt  }
0x6b: {  	_ =	shalt  }
0x6c: {  	_ =	shalt  }
0x6d: {  	_ =	shalt  }
0x6e: {  	_ =	shalt  }
0x6f: {  	_ =	shalt  }
0x70: {  	_ =	shalt  }
0x71: {  	_ =	shalt  }
0x72: {  	_ =	shalt  }
0x73: {  	_ =	shalt  }
0x74: {  	_ =	shalt  }
0x75: {  	_ =	shalt  }
0x76: {  	_ =	shalt  }
0x77: {  	_ =	shalt  }
0x78: {  	_ =	shalt  }
0x79: {  	_ =	shalt  }
0x7a: {  	_ =	shalt  }
0x7b: {  	_ =	shalt  }
0x7c: {  	_ =	shalt  }
0x7d: {  	_ =	shalt  }
0x7e: {  	_ =	shalt  }
0x7f: {  	_ =	shalt  }
0x80: {  	_ =	shalt  }
0x81: {  	_ =	shalt  }
0x82: {  	_ =	shalt  }
0x83: {  	_ =	shalt  }
0x84: {  	_ =	shalt  }
0x85: {  	_ =	shalt  }
0x86: {  	_ =	shalt  }
0x87: {  	_ =	shalt  }
.Lfunc_end0:
.L_simem_size_0:
called_computation_lowered:
.L_overlay_start_0:
0x88: {  	s0 =	sld [smem:$0x3FD9]  }
0x89: {  	s1 =	sld [smem:$0x3FFE];
	_ =	sdelay $0x3  }
0x8a: {  	s0 =	sadd.s32 s1, s0  }
0x8b: {  	[smem:$0x3FB1] =	sst s0  }
0x8c: {  	_ = 	snop  }
0x8d: {  	s0 =	sld [smem:$0x3FD0];
	_ =	sdelay $0x2  }
0x8e: {  	s13 =	simm.s32 $0xA;
	s2 =	simm.s32 $0x10  }
0x8f: {  	[smem:s2], [sflag:s13] =	dma.local [hbm:s0], $0x1  }
0x90: {  	_ =	swait.eq [sflag:s13], $0x1  }
0x91: {  	[sflag:s13] =	ssyncset.done $0x0  }
0x92: {  	s14 =	sld [smem:$0x10];
	[sflag:s13] =	ssyncadd.s32 $0xFFFFFFFF  }
0x93: {  	s15 =	sld [smem:$0x11];
	(tm) =	ssettm $0x1  }
0x94: {  	s16 =	sld [smem:$0x3FFB];
	_ =	sdelay $0x3  }
0x95: {  	_ =	strace s16  }
0x96: {  	s2 =	sld [smem:$0x3FFC];
	_ =	sdelay $0x3  }
0x97: {  	_ =	strace s2  }
0x98: {  	s2 =	sld [smem:$0x3FFD];
	_ =	sdelay $0x3  }
0x99: {  	_ =	strace s2  }
0x9a: {  	_ =	strace $0x8FFFFFFF  }
0x9b: {  	s17 =	sld [smem:$0x3FDB];
	_ =	sdelay $0x1  }
0x9c: {  	s3 =	simm.s32 $_scs_section_size  }
0x9d: {  	s4 =	simm.s32 $_size__tile_overlayer_lowered;
	s5 =	simm.s32 $_tile_overlayer_lowered  }
0x9e: {  	s20 =	simm.s32 $0x1BFF;
	s19 =	sshll.u32 s5, $0x1;
	s2 =	sadd.s32 s3, s17  }
0x9f: {  	s6 =	simm.s32 $0x0;
	s18 =	sshll.u32 s4, $0x1;
	s4 =	sadd.s32 s19, s2  }
0xa0: {  	[timem:s6], [sflag:s20] =	dma.local [hbm:s4], s18  }
0xa1: {  	_ =	swait.ge [sflag:s20], s18  }
0xa2: {  	s3 =	ssub.s32 $0x0, s18;
	[sflag:s20] =	ssyncset.done $0x0  }
0xa3: {  	[sflag:s20] =	ssyncadd.s32 s3;
	_ =	sdelay $0x1  }
0xa4: {  	s21 =	simm.s32 $0x1B8B  }
0xa5: {  	_ =	swait.ge [sflag:s21], $0x1  }
0xa6: {  	[sflag:s21] =	ssyncset.done $0x0  }
0xa7: {  	s23 =	simm.s32 $0x1B8E;
	s22 =	sld [smem:$0x3FFE];
	[sflag:s21] =	ssyncadd.s32 $0xFFFFFFFF  }
0xa8: {  	s24 =	simm.s32 $execute0_lowered;
	[smem:$0x3FD2] =	sst s23  }
0xa9: {  	s4 =	sshll.u32 s24, $0x1;
	_ =	strace $0x80000046;
	[dreg:$0x1] =	wrdreg $0xFFFFFFFF  }
0xaa: {  	s25 =	simm.s32 $_size_execute0_lowered;
	s2 =	sadd.s32 s2, s4;
	[dreg:$0x0] =	wrdreg $0x0  }
0xab: {  	s4 =	sshll.u32 s25, $0x1;
	[dreg:$0x2] =	wrdreg s2  }
0xac: {  	[dreg:$0x3] =	wrdreg s4  }
0xad: {  	[dreg:$0x4] =	wrdreg $0xC0  }
0xae: {  	_ =	task [dreg:s6], $0x5FFFF  }
0xaf: {  	[dreg:$0x1] =	wrdreg $0xFFFFFFFF  }
0xb0: {  	[dreg:$0x0] =	wrdreg $0x60  }
0xb1: {  	[dreg:$0x2] =	wrdreg s22  }
0xb2: {  	[dreg:$0x3] =	wrdreg s15  }
0xb3: {  	[dreg:$0x4] =	wrdreg s14  }
0xb4: {  	[dreg:$0x5] =	wrdreg $0x9  }
0xb5: {  	_ =	task.clear_ibuf [dreg:s6], $0x6FFFF;
	_ =	strace $0x90000046  }
0xb6: {  	s26 =	simm.s32 $0x9;
	_ =	strace $0x80000048  }
0xb7: {  	_ =	swait.ge [sflag:s26], $0x1  }
0xb8: {  	[sflag:s26] =	ssyncadd.s32 $0xFFFFFFFF  }
0xb9: {  	_ =	strace $0x90000048  }
0xba: {  	_ =	sfence  }
0xbb: {  	s28 =	sld [smem:$0x0];
	_ =	sdelay $0x1  }
0xbc: {  	s29 =	srdreg.scid  }
0xbd: {  	s30 =	sshll.u32 s29, $0xD;
	s31 =	sshrl.u32 s29, $0x2  }
0xbe: {  	s1 =	sand.u32 $0x1, s29;
	s2 =	sand.u32 $0x4000, s30;
	s0 =	sadd.s32 s31, s28  }
0xbf: {  	s1 =	sor.u32 s2, s1;
	s0 =	sshll.u32 s0, $0x11  }
0xc0: {  	s0 =	sor.u32 s0, s1  }
0xc1: {  	s0 =	sadd.s32 $0x8F2B, s0  }
0xc2: {  	[sflag:s0] =	ssyncadd.remote.s32 $0x1  }
0xc3: {  	_ =	sfence.sel $0xFFFF  }
0xc4: {  	[dreg:$0x0] =	wrdreg $0xFFFFFFFF;
	(pc) =	sbr.abs _section_cstart, $3  }
0xc5: {  	[dreg:$0x1] =	wrdreg $0xFFFFFFFF  }
0xc6: {  	_ =	task.clear_ibuf [dreg:s6], $0x2FFFF;
	_ =	strace $0x9FFFFFFF  }
0xc7: {  	(tm) =	ssettm $0x7FFFFFFF  }
tec
execute0_lowered:
.L_overlay_start_1:
0x0: {  	(tag) =	ssettag $0x1  }
0x1: {  	s0 =	rddreg [dreg:$0x0];
	_ =	strace $0x80000047;
	s5 =	simm.s32 $0x1  }
0x2: {  	v1 =	vimm.s32 $0xFFFFFFFF;
	[sflag:s5] =	ssyncpa.u1 $0x0  }
0x3: {  	[tilespmem:$0x10] =	vst v1  }
0x4: {  	v0 =	vimm.f32 $0.0e+00;
	[tilespmem:$0x20] =	vst v1  }
0x5: {  	[tilespmem:$0x30] =	vst v0  }
0x6: {  	s2 =	simm.s32 $0x2;
	s6 =	simm.s32 $0x7;
	s26 =	stileid.u32;
	[tilespmem:$0x40] =	vst v0  }
0x7: {  	s7 =	simm.s32 $0x8;
	s31 =	simm.s32 $0x9;
	s14 =	simm.s32 $0x0;
	[tilespmem:$0x50] =	vst v0  }
0x8: {  	s15 =	simm.s32 $0x100;
	s16 =	simm.s32 $0x5100;
	s17 =	simm.s32 $0x10FF;
	[tilespmem:$0x60] =	vst v1  }
0x9: {  	s18 =	simm.s32 $0x10;
	s19 =	simm.s32 $0x9100;
	s20 =	simm.s32 $0xF;
	[tilespmem:$0x70] =	vst v1  }
0xa: {  	s21 =	simm.s32 $0x50;
	s22 =	simm.s32 $0x40FF;
	s23 =	simm.s32 $0x20;
	[tilespmem:$0x80] =	vst v1  }
0xb: {  	s24 =	simm.s32 $0x30;
	s25 =	simm.s32 $0x80FF;
	s30 =	simm.s32 $0x0;
	v1 =	vimm.s32 $0x0;
	[tilespmem:$0xB0] =	vst v0  }
.Ltmp0:
0xc: {  	s29 =	simm.s32 $0x0;
	s1 =	sadd.s32 $0x139C00, s0;
	[tilespmem:$0x90] =	vst v1;
	(pc) =	sbr.rel .LBB2_1-.Ltmp0, $4  }
0xd: {  	s8 =	sshll.u32 s26, $0xC;
	s10 =	sshll.u32 s26, $0x1;
	[tilespmem:$0xA0] =	vst v1;
	[sflag:s2] =	ssyncpa.u1 $0x0  }
0xe: {  	s12 =	sshllo.u32 s26, $0x1;
	s26 =	simm.s32 $0x80;
	[sflag:s6] =	ssyncpa.u1 $0x0  }
0xf: {  	vm0 =	vmmov $0xffff;
	v2 =	vlaneseq.u32;
	s9 =	sadd.s32 $0x1000, s8;
	s11 =	sor.u32 $0x81, s10;
	[sflag:s7] =	ssyncpa.u1 $0x0  }
0x10: {  	vm1 =	vmxor vm1, vm1;
	vm2 =	vmmov $0x1;
	vm3 =	vcmask $0x3F3C;
	s13 =	sor.u32 $0x80, s10;
	s28 =	smov.u32 s8;
	[sflag:s31] =	ssyncpa.u1 $0x0  }
.LBB2_3:
0x11: {  	s0 =	sshrl.u32 s28, $0x3;
	s2 =	rddreg [dreg:$0x1]  }
0x12: {  	s31 =	sand.u32 $0x7, s28;
	s0 =	sadd.s32 s2, s0  }
0x13: {  	[tilespmem:s15], [sflag:$0x7] =	stream.linear.gather [hbm4b:s0+s31], $0x1000, $0x38;
	[tilespmem:$0x9120] =	vst v63  }
.LBB2_4:
0x14: {  	s0 =	sadd.s32 $0x1000, s28  }
0x15: {  	s2 =	smov.u32 s8;
	s29 =	sadd.s32 $0x1, s29;
	p0 =	slt.s32 s0, s9  }
0x16: {  	s2 =	smov.u32 @p0 s0;
	p0 =	sne.s32 s29, $0x4  }
.Ltmp1:
0x17: {  	_ = 	snop;
	(pc) =	sbr.rel @!p0 .LBB2_13-.Ltmp1, $2  }
0x18: {  	_ =	sdelay $0x2  }
0x19: {  	s30 =	smov.u32 s28;
	s28 =	smov.u32 s2  }
.LBB2_1:
0x1a: {  	p0 =	sgt.s32 s29, $0x1  }
.Ltmp2:
0x1b: {  	_ = 	snop;
	(pc) =	sbr.rel @p0 .LBB2_11-.Ltmp2, $1  }
0x1c: {  	_ =	sdelay $0x3  }
0x1d: {  	p0 =	seq.s32 s29, $0x0  }
.Ltmp3:
0x1e: {  	_ = 	snop;
	(pc) =	sbr.rel @p0 .LBB2_3-.Ltmp3, $1  }
0x1f: {  	_ =	sdelay $0x3  }
0x20: {  	_ =	swait.ge [sflag:s6], $0x1000  }
0x21: {  	[sflag:s6] =	ssyncset.done $0x0  }
0x22: {  	[sflag:s6] =	ssyncadd.s32 $0xFFFFF000;
	(ifvalue) =	ssetifvalue $0xFFFFFFFF;
	v3 =	vld.msk [tilespmem:s15+$0x0 ss:$0x1], $0xffff;
	_ =	sdelay $0x4  }
0x23: {  	v4 =	vperm.xlane v3, v1  }
0x24: {  	vm4 =	vlt.u32 v3, $0x1400000  }
0x25: {  	v3 =	vnsel vm4, $0xFFFFFFFE, v3;
	vm4 =	vlt.u32 v4, $0x1400000  }
0x26: {  	[tilespmem:$0x70] =	vst v3;
	v3 =	vnsel vm4, $0xFFFFFFFE, v4  }
0x27: {  	s4 =	simm.s32 $0x10F0;
	[tilespmem:$0x80] =	vst v3  }
0x28: {  	v3 =	vld.msk [tilespmem:s4+$0x0 ss:$0x1], $0xffff;
	_ =	sdelay $0x4  }
0x29: {  	(xrf1) =	vunique.msk.u32 $0xffff, v3;
	_ =	sdelay $0xd  }
0x2a: {  	v4 =	vimm.s32 $0xFFFFFFFF;
	v5, _, _ =	vpop (xrf1)  }
0x2b: {  	vm5 =	vne.s32 v3, v4;
	vm4 =	veq.s32 v5, v2  }
0x2c: {  	vm6 =	vlt.u32 v3, $0x1400000;
	vm4 =	vmand vm5, vm4  }
0x2d: {  	vm4 =	vmand vm6, vm4  }
0x2e: {  	v4 =	vnsel vm4, $0xFFFFFFFF, v3;
	_ =	sdelay $0x3  }
0x2f: {  	s0 =	simm.s32 $0x40F0;
	(ifvalue) =	ssetifvalue $0xFFFFFFFF  }
0x30: {  	v3 =	vperm.xlane v3, v1;
	[tilespmem:s0], [sflag:$0x8] =	stream.indirect_vreg.gather [hbm4b:s1+s14], $0x1, v4, vm0, $0x4038;
	v4 =	vnsel vm6, $0xFFFFFFFE, v4;
	[tilespmem:$0x9120] =	vst v63  }
0x31: {  	s2 =	simm.s32 $0x0;
	s3 =	simm.s32 $0x10E0;
	[tilespmem:s4+$0x0] =	vst v4  }
.LBB2_6:
0x32: {  	v4 =	vld.msk [tilespmem:s3+$0x0 ss:$0x1], $0xffff;
	s2 =	sadd.s32 $0x10, s2;
	v5 =	vmov v3;
	s4 =	smov.u32 s3  }
0x33: {  	p0 =	slt.u32 s2, $0xFF0;
	_ =	sdelay $0x4  }
0x34: {  	v3 =	vperm.xlane v4, v1;
	(xrf1) =	vunique.msk.u32 $0xffff, v4;
	_ =	sdelay $0xd  }
0x35: {  	v6, _, _ =	vpop (xrf1)  }
0x36: {  	vm5 =	vne.s32 v4, v5;
	vm4 =	veq.s32 v6, v2  }
0x37: {  	vm6 =	vlt.u32 v4, $0x1400000;
	vm4 =	vmand vm5, vm4  }
0x38: {  	vm4 =	vmand vm6, vm4  }
0x39: {  	v4 =	vnsel vm4, $0xFFFFFFFF, v4  }
.Ltmp4:
0x3a: {  	v5 =	vnsel vm6, $0xFFFFFFFE, v4;
	(pc) =	sbr.rel @p0 .LBB2_6-.Ltmp4, $3  }
0x3b: {  	_ =	sdelay $0x1  }
0x3c: {  	s3 =	sadd.s32 $0xFFFFFFF0, s3;
	s0 =	sadd.s32 $0xFFFFFFF0, s0;
	(ifvalue) =	ssetifvalue $0xFFFFFFFF  }
0x3d: {  	[tilespmem:s0], [sflag:$0x8] =	stream.indirect_vreg.gather [hbm4b:s1+s14], $0x1, v4, vm0, $0x4038;
	[tilespmem:s4+$0x0] =	vst v5  }
.Ltmp5:
0x3e: {  	(pc) =	sbr.rel .LBB2_4-.Ltmp5, $4  }
0x3f: {  	_ = 	snop  }
0x40: {  	s0 =	sshrl.u32 s30, $0x3;
	s2 =	rddreg [dreg:$0x2]  }
0x41: {  	s0 =	sadd.s32 s2, s0  }
0x42: {  	[tilespmem:s16], [sflag:$0x8] =	stream.linear.gather [hbm:s0], $0x1000, $0x38;
	[tilespmem:$0x9120] =	vst v63  }
.LBB2_11:
0x43: {  	p0 =	seq.s32 s29, $0x2  }
.Ltmp6:
0x44: {  	_ = 	snop;
	(pc) =	sbr.rel @!p0 .LBB2_12-.Ltmp6, $1  }
0x45: {  	_ =	sdelay $0x3  }
0x46: {  	_ =	swait.ge [sflag:s7], $0x2000  }
0x47: {  	[sflag:s7] =	ssyncset.done $0x0  }
0x48: {  	[sflag:s7] =	ssyncadd.s32 $0xFFFFE000  }
0x49: {  	[spmem:s11] =	stream.linear.scatter [tilespmem:s17], [sflag:$0x1], $0x1, $0x38;
	[tilespmem:$0x9120] =	vst v63  }
0x4a: {  	_ =	swait.ge [sflag:s5], $0x1  }
0x4b: {  	[sflag:s5] =	ssyncset.done $0x0  }
0x4c: {  	[sflag:s5] =	ssyncadd.s32 $0xFFFFFFFF  }
0x4d: {  	v4 =	vld [tilespmem:$0x10]  }
0x4e: {  	v5 =	vld [tilespmem:$0x70]  }
0x4f: {  	v3 =	vld [tilespmem:$0x80];
	_ =	sdelay $0x2  }
0x50: {  	(v2sf) =	vpush v4, $0x0  }
0x51: {  	(v2sf) =	vpush v5, $0x0  }
0x52: {  	(v2sf) =	vpush v3, $0x0;
	_ =	sdelay $0xc  }
0x53: {  	s0 =	spop (v2sf)  }
0x54: {  	s2 =	spop (v2sf)  }
0x55: {  	s30 =	spop (v2sf)  }
0x56: {  	p0 =	seq.s32 s0, s2;
	p1 =	seq.s32 s30, s0  }
0x57: {  	p1 =	por p0, p1  }
0x58: {  	v4 =	vpsel p1, $0xFFFFFFFF, v4  }
0x59: {  	[tilespmem:s18+$0x0] =	vst.msk $0x1, v4  }
0x5a: {  	v4 =	vld [tilespmem:$0x30]  }
0x5b: {  	v5 =	vld [tilespmem:$0x5100]  }
0x5c: {  	v6 =	vld [tilespmem:$0x40];
	_ =	sdelay $0x3  }
0x5d: {  	vm4 =	vmmov vm1;
	v5 =	vadd.f32 v5, v4  }
0x5e: {  	vm5 =	vmmov vm2;
	s31 =	simm.s32 $0x5100;
	vm4 =	vmmov @p0 vm2;
	v4 =	vadd.f32 v6, v4  }
0x5f: {  	vm5 =	vmmov @p1 vm1;
	[tilespmem:s31+$0x0] =	vst.msk vm4, v5  }
0x60: {  	[tilespmem:s19+$0x0] =	vst.msk vm5, v4  }
0x61: {  	v4 =	vld [tilespmem:$0x40F0];
	_ =	sdelay $0x3  }
0x62: {  	v5 =	vimm.f32 $0.0e+00  }
0x63: {  	v4 =	vshift.insert v4, v5, s20;
	_ =	sdelay $0x1  }
0x64: {  	[tilespmem:s21+$0x0] =	vst.msk $0x1, v4  }
0x65: {  	[tilespmem:s22+$0x0] =	vst.msk $0x1, v5  }
0x66: {  	v4 =	vld [tilespmem:$0x10F0];
	_ =	sdelay $0x4  }
0x67: {  	v4 =	vshift.insert v4, v1, s20;
	_ =	sdelay $0x1  }
0x68: {  	[tilespmem:s23+$0x0] =	vst.msk $0x1, v4  }
0x69: {  	s4 =	simm.s32 $0x100;
	v6 =	vld [tilespmem:s31+$0x0]  }
0x6a: {  	v7 =	vld [tilespmem:s4+$0x0];
	_ =	sdelay $0x3  }
0x6b: {  	v5 =	vadd.f32 v6, v5  }
0x6c: {  	vm4 =	vne.s32 v7, $0xFFFFFFFF  }
0x6d: {  	(xrf2) =	vadd.seg.scan.f32 vm4, v5;
	_ =	sdelay $0x3  }
0x6e: {  	s0 =	simm.s32 $0x3100;
	v5 =	vperm.xlane v4, v1  }
0x6f: {  	v6 =	vld [tilespmem:s0+$0x0]  }
0x70: {  	vm5 =	veq.s32 v7, v3;
	vm6 =	veq.s32 v7, v5  }
0x71: {  	vm7 =	vgt.u32 v7, $0xFFFFFFFD;
	vm6 =	vmor vm6, vm5  }
0x72: {  	vm6 =	vmor vm6, vm7  }
0x73: {  	v9 =	vld [tilespmem:$0xA0];
	v7 =	vsel vm6, $0xFFFFFFFF, v7  }
0x74: {  	v10 =	vld [tilespmem:$0x90];
	v6 =	vsel vm5, $0x0, v6;
	v8, _, _ =	vpop (xrf2)  }
0x75: {  	v6 =	vadd.f32 v8, v6  }
0x76: {  	s2 =	simm.s32 $0x7100  }
0x77: {  	vm4 =	vmand vm4, vm3;
	[tilespmem:s2+$0x0] =	vst v6;
	(ifvalue) =	ssetifvalue $0xFFFFFFFF  }
0x78: {  	vm6 =	veq.s32 v9, $0x1;
	[hbm4b:s1+s14] =	stream.indirect_vreg.scatter [tilespmem:s2], [sflag:$0x2], $0x1, v7, vm0, $0x4038;
	v7 =	vsel vm4, $0x0, v8;
	[tilespmem:$0x9120] =	vst v63  }
0x79: {  	s3 =	simm.s32 $0x0;
	s4 =	simm.s32 $0x110;
	vm4 =	vmor vm6, vm5;
	v6 =	vsel vm5, v8, v10;
	v7 =	vshift.insert v7, v0, s20  }
.LBB2_9:
0x7a: {  	v8 =	vld [tilespmem:s4+$0x0];
	s31 =	sadd.s32 $0x10, s31  }
0x7b: {  	s0 =	sadd.s32 $0x10, s0;
	v9 =	vld [tilespmem:s31+$0x0]  }
0x7c: {  	s3 =	sadd.s32 $0x10, s3;
	v10 =	vld [tilespmem:s0+$0x0]  }
0x7d: {  	p0 =	slt.u32 s3, $0xFF0;
	_ =	sdelay $0x2  }
0x7e: {  	v7 =	vadd.f32 v9, v7  }
0x7f: {  	vm5 =	vne.s32 v8, $0xFFFFFFFF  }
0x80: {  	vm6 =	vmand vm5, vm3;
	(xrf2) =	vadd.seg.scan.f32 vm5, v7;
	_ =	sdelay $0x5  }
0x81: {  	vm7 =	veq.s32 v8, v5;
	vm5 =	veq.s32 v8, v3  }
0x82: {  	vm8 =	vgt.u32 v8, $0xFFFFFFFD;
	vm4 =	vmor vm4, vm5;
	vm7 =	vmor vm7, vm5  }
0x83: {  	vm7 =	vmor vm7, vm8  }
0x84: {  	v8 =	vsel vm7, $0xFFFFFFFF, v8  }
.Ltmp7:
0x85: {  	v7 =	vsel vm5, $0x0, v10;
	v9, _, _ =	vpop (xrf2);
	(pc) =	sbr.rel @p0 .LBB2_9-.Ltmp7, $4  }
0x86: {  	v6 =	vsel vm5, v9, v6;
	v10 =	vadd.f32 v9, v7;
	v7 =	vsel vm6, $0x0, v9  }
0x87: {  	s2 =	sadd.s32 $0x10, s2;
	v7 =	vshift.insert v7, v0, s20  }
0x88: {  	s4 =	sadd.s32 $0x10, s4;
	[tilespmem:s2+$0x0] =	vst v10;
	(ifvalue) =	ssetifvalue $0xFFFFFFFF  }
0x89: {  	[hbm4b:s1+s14] =	stream.indirect_vreg.scatter [tilespmem:s2], [sflag:$0x2], $0x1, v8, vm0, $0x4038;
	[tilespmem:$0x9120] =	vst v63  }
0x8a: {  	v3 =	vld [tilespmem:$0x80F0];
	_ =	sdelay $0x4  }
0x8b: {  	v3 =	vshift.insert v3, v0, s20;
	_ =	sdelay $0x1  }
0x8c: {  	[tilespmem:s24+$0x0] =	vst.msk $0x1, v3  }
0x8d: {  	v3 =	vsel vm4, $0x1, v1;
	[tilespmem:$0x90] =	vst v6  }
0x8e: {  	[tilespmem:$0xA0] =	vst v3  }
0x8f: {  	[spmem:s12] =	stream.linear.scatter [tilespmem:s25], [sflag:$0x1], $0x1, $0x38;
	[tilespmem:$0x9120] =	vst v63  }
0x90: {  	v3 =	vmctz.xlane vm4;
	_ =	swait.ge [sflag:s5], $0x1  }
0x91: {  	(v2sf) =	vpush v4, $0x0  }
0x92: {  	(v2sf) =	vpush v3, $0x0;
	_ =	sdelay $0xd  }
0x93: {  	s0 =	spop (v2sf)  }
0x94: {  	s2 =	spop (v2sf)  }
0x95: {  	[sflag:s5] =	ssyncset.done $0x0;
	p0 =	sne.s32 s30, s0;
	p1 =	slt.s32 s2, $0xF  }
0x96: {  	[sflag:s5] =	ssyncadd.s32 $0xFFFFFFFF;
	v3 =	vimm.s32 @!p0 $0xFFFFFFFF;
	s2 =	simm.s32 @!p1 $0xF  }
0x97: {  	[tilespmem:$0x80] =	vst @!p0 v3;
	s31 =	sadd.s32 $0x90, s2  }
0x98: {  	[spmem:s10] =	stream.linear.scatter [tilespmem:s31], [sflag:$0x1], $0x1, $0x38;
	[tilespmem:$0x9120] =	vst v63  }
0x99: {  	_ =	swait.ge [sflag:s5], $0x1  }
0x9a: {  	[sflag:s5] =	ssyncset.done $0x0  }
0x9b: {  	[sflag:s5] =	ssyncadd.s32 $0xFFFFFFFF  }
0x9c: {  	[spmem:s13] =	stream.linear.scatter [tilespmem:s26], [sflag:$0x1], $0x1, $0x38;
	[tilespmem:$0x9120] =	vst v63  }
0x9d: {  	_ =	swait.ge [sflag:s5], $0x1  }
0x9e: {  	[sflag:s5] =	ssyncset.done $0x0  }
0x9f: {  	[sflag:s5] =	ssyncadd.s32 $0xFFFFFFFF;
	(ifvalue) =	ssetifvalue $0xFFFFFFFF;
	v3 =	vld [tilespmem:$0x10];
	_ =	sdelay $0x3  }
.Ltmp8:
0xa0: {  	_ = 	snop;
	(pc) =	sbr.rel .LBB2_4-.Ltmp8, $3  }
0xa1: {  	_ =	sdelay $0x1  }
0xa2: {  	(ifvalue) =	ssetifvalue $0xFFFFFFFF  }
0xa3: {  	[hbm4b:s1+s14] =	stream.indirect_vreg.scatter [tilespmem:s19], [sflag:$0x9], $0x1, v3, vm0, $0x4038;
	[tilespmem:$0x9120] =	vst v63  }
.LBB2_12:
0xa4: {  	s0 =	simm.s32 $0x2  }
0xa5: {  	_ =	swait.ge [sflag:s0], $0x1000  }
0xa6: {  	[sflag:s0] =	ssyncset.done $0x0  }
0xa7: {  	s31 =	simm.s32 $0x9;
	[sflag:s0] =	ssyncadd.s32 $0xFFFFF000  }
0xa8: {  	_ =	swait.ge [sflag:s31], $0x10  }
0xa9: {  	[sflag:s31] =	ssyncset.done $0x0  }
0xaa: {  	[sflag:s31] =	ssyncadd.s32 $0xFFFFFFF0  }
.LBB2_13:
0xab: {  	_ =	sfence.sel $0x180000  }
0xac: {  	s0 =	simm.s32 $0x7;
	[bflag:$0x0] =	sbarrier.arrive $0xFFFF  }
0xad: {  	s26 =	simm.s32 $0x8;
	[sflag:s0] =	ssyncpa.u1 $0x1  }
0xae: {  	s28 =	simm.s32 $0x9;
	[sflag:s26] =	ssyncpa.u1 $0x1  }
0xaf: {  	[sflag:s28] =	ssyncpa.u1 $0x1  }
0xb0: {  	_ =	sfence.stream.spmem  }
0xb1: {  	s29 =	simm.s32 $0x3;
	[bflag:$0x0] =	sbarrier.arrive $0xFFFF  }
0xb2: {  	s30 =	simm.s32 $0x4;
	[sflag:s29] =	ssyncpa.u1 $0x1  }
0xb3: {  	s31 =	simm.s32 $0x3C;
	s2 =	stileid.u32;
	[sflag:s30] =	ssyncpa.u1 $0x1  }
0xb4: {  	p0 =	sne.s32 s2, $0x0;
	[sflag:s31] =	ssyncpa.u1 $0x1  }
0xb5: {  	s0 =	simm.s32 @p0 $0x1;
	_ =	sfence @p0  }
0xb6: {  	[sflag:s0] =	ssyncpa.u1 @p0 $0x1;
	s0 =	simm.s32 @p0 $0x2  }
0xb7: {  	[sflag:s0] =	ssyncpa.u1 @p0 $0x1  }
0xb8: {  	_ =	strace @p0 $0x90000047  }
0xb9: {  	[bflag:$0x2] =	sbarrier.arrive @p0 $0xFFFF  }
0xba: {  	_ =	shalt @p0  }
.LBB2_14:
0xbb: {  	_ =	sfence.stream.spmem;
	s0 =	simm.s32 $0x5  }
0xbc: {  	s2 =	simm.s32 $0x80;
	s3 =	simm.s32 $0xC0;
	[sflag:s0] =	ssyncpa.u1 $0x0  }
0xbd: {  	[tilespmem:s3], [sflag:$0x5] =	stream.linear.gather [spmem:s2], $0x20, $0x38;
	[tilespmem:$0x9120] =	vst v63  }
0xbe: {  	s2 =	simm.s32 $0x0;
	s3 =	simm.s32 $0xE0  }
0xbf: {  	[tilespmem:s3], [sflag:$0x5] =	stream.linear.gather [spmem:s2], $0x20, $0x38;
	[tilespmem:$0x9120] =	vst v63  }
.Ltmp9:
0xc0: {  	_ = 	snop;
	(pc) =	sbr.rel .LBB2_15-.Ltmp9, $4  }
0xc1: {  	_ =	swait.ge [sflag:s0], $0x40  }
0xc2: {  	[sflag:s0] =	ssyncset.done $0x0  }
0xc3: {  	s31 =	simm.s32 $0x6;
	[sflag:s0] =	ssyncadd.s32 $0xFFFFFFC0  }
0xc4: {  	s4 =	simm.s32 $0x0;
	[sflag:s31] =	ssyncpa.u1 $0x0  }
.LBB2_20:
0xc5: {  	p0 =	sgt.u32 s0, $0x13FFFFF  }
0xc6: {  	s5 =	sshrl.u32 @!p0 s0, $0x3  }
0xc7: {  	s0 =	sand.u32 @!p0 $0x7, s0;
	s6 =	simm.s32 @!p0 $0xB0;
	s5 =	sadd.s32 @!p0 s1, s5  }
0xc8: {  	[tilespmem:s6], [sflag:$0x6] =	stream.linear.gather @!p0 [hbm4b:s5+s0], $0x1, $0x38;
	[tilespmem:$0x9120] =	vst v63  }
0xc9: {  	s0 =	simm.s32 @!p0 $0x6  }
0xca: {  	_ =	swait.ge @!p0 [sflag:s0], $0x1  }
0xcb: {  	[sflag:s0] =	ssyncset.done @!p0 $0x0  }
0xcc: {  	[sflag:s0] =	ssyncadd.s32 @!p0 $0xFFFFFFFF  }
0xcd: {  	v2 =	vmov @!p0 s4;
	v1 =	vld.msk @!p0 [tilespmem:$0xB0], $0x1;
	_ =	sdelay $0x3  }
0xce: {  	s0 =	simm.s32 @!p0 $0xE0  }
0xcf: {  	[tilespmem:v2+s0+$0x0], v1 =	vst.idx.ret.add.f32.msk @!p0 $0x1, v1  }
0xd0: {  	[tilespmem:s2+$0xC0] =	vst.msk $0x1, v0  }
0xd1: {  	v0 =	vld.msk [tilespmem:s4+$0xE0], $0x1;
	_ =	sdelay $0x4  }
0xd2: {  	[tilespmem:s2+$0xE0] =	vst.msk $0x1, v0;
	s2 =	sadd.s32 $0x1, s2  }
.LBB2_22:
0xd3: {  	s4 =	sadd.s32 $0x1, s4  }
0xd4: {  	p0 =	sne.s32 s4, $0x20  }
.Ltmp10:
0xd5: {  	_ = 	snop;
	(pc) =	sbr.rel @!p0 .LBB2_23-.Ltmp10, $1  }
0xd6: {  	_ =	sdelay $0x3  }
.LBB2_15:
0xd7: {  	v0 =	vld.msk [tilespmem:s4+$0xC0], $0x1;
	_ =	sdelay $0x4  }
0xd8: {  	(v2sf) =	vpush v0, $0x0;
	_ =	sdelay $0xe  }
0xd9: {  	s0 =	spop (v2sf)  }
0xda: {  	p0 =	seq.s32 s0, $0xFFFFFFFF  }
.Ltmp11:
0xdb: {  	_ = 	snop;
	(pc) =	sbr.rel @p0 .LBB2_22-.Ltmp11, $1  }
0xdc: {  	_ =	sdelay $0x3  }
0xdd: {  	p0 =	slt.s32 s2, $0x1  }
.Ltmp12:
0xde: {  	_ = 	snop;
	(pc) =	sbr.rel @p0 .LBB2_20-.Ltmp12, $1  }
0xdf: {  	_ =	sdelay $0x3  }
0xe0: {  	s5 =	simm.s32 $0xC0;
	p0 =	por $0x0, $0x0  }
0xe1: {  	v1 =	vld.msk @!p0 [tilespmem:s5+$0x0], $0x1;
	_ =	sdelay $0x4  }
0xe2: {  	(v2sf) =	vpush @!p0 v1, $0x0;
	_ =	sdelay $0xd  }
0xe3: {  	p2 =	sne.s32 s2, $0x1  }
.Ltmp13:
0xe4: {  	s6 =	spop @!p0 (v2sf);
	(pc) =	sbr.rel @!p2 .LBB2_19-.Ltmp13, $4  }
0xe5: {  	p1 =	seq.s32 @!p0 s0, s6  }
0xe6: {  	s6 =	simm.s32 $0x0;
	p1 =	por !p1, p0  }
0xe7: {  	s8 =	simm.s32 $0xFFFFFFFF;
	s6 =	simm.s32 @p1 $0xFFFFFFFF  }
0xe8: {  	s7 =	simm.s32 $0x1;
	s6 =	smov.u32 @p0 s8  }
.LBB2_18:
0xe9: {  	s8 =	smov.u32 s6;
	p0 =	sne.s32 s6, $0xFFFFFFFF  }
0xea: {  	s5 =	sadd.s32 $0x1, s5;
	s6 =	smov.u32 s7;
	s7 =	sadd.s32 $0x1, s7  }
0xeb: {  	p1 =	sne.s32 s2, s7;
	v1 =	vld.msk @!p0 [tilespmem:s5+$0x0], $0x1;
	_ =	sdelay $0x4  }
0xec: {  	(v2sf) =	vpush @!p0 v1, $0x0;
	_ =	sdelay $0xe  }
.Ltmp14:
0xed: {  	s9 =	spop @!p0 (v2sf);
	(pc) =	sbr.rel @p1 .LBB2_18-.Ltmp14, $4  }
0xee: {  	p2 =	seq.s32 @!p0 s0, s9  }
0xef: {  	p2 =	por !p2, p0  }
0xf0: {  	s6 =	simm.s32 @p2 $0xFFFFFFFF  }
0xf1: {  	s6 =	smov.u32 @p0 s8  }
.LBB2_19:
0xf2: {  	p0 =	sne.s32 s6, $0xFFFFFFFF  }
.Ltmp15:
0xf3: {  	_ = 	snop;
	(pc) =	sbr.rel @!p0 .LBB2_20-.Ltmp15, $1  }
0xf4: {  	_ =	sdelay $0x3  }
0xf5: {  	v0 =	vld.msk [tilespmem:s4+$0xE0], $0x1;
	v1 =	vmov s6  }
.Ltmp16:
0xf6: {  	_ = 	snop;
	(pc) =	sbr.rel .LBB2_22-.Ltmp16, $2  }
0xf7: {  	_ =	sdelay $0x2  }
0xf8: {  	[tilespmem:v1+s3+$0x0], v0 =	vst.idx.ret.add.f32.msk $0x1, v0  }
.LBB2_23:
0xf9: {  	p0 =	slt.s32 s2, $0x1  }
.Ltmp17:
0xfa: {  	_ = 	snop;
	(pc) =	sbr.rel @p0 .LBB2_27-.Ltmp17, $3  }
0xfb: {  	_ =	sdelay $0x1  }
0xfc: {  	s0 =	simm.s32 $0x6  }
0xfd: {  	[sflag:s0] =	ssyncpa.u1 $0x1;
	s0 =	simm.s32 $0x0  }
0xfe: {  	s3 =	simm.s32 $0xC0  }
0xff: {  	v0 =	vld.msk [tilespmem:s3+$0x0], $0x1;
	_ =	sdelay $0x4  }
0x100: {  	(v2sf) =	vpush v0, $0x0;
	_ =	sdelay $0xe  }
0x101: {  	s2 =	sadd.s32 $0xFFFFFFFF, s2;
	s4 =	spop (v2sf)  }
0x102: {  	p1 =	sne.s32 s2, $0x0;
	p0 =	sgt.u32 s4, $0x13FFFFF  }
.Ltmp18:
0x103: {  	s5 =	sshrl.u32 @!p0 s4, $0x3;
	(pc) =	sbr.rel @!p1 .LBB2_26-.Ltmp18, $4  }
0x104: {  	s3 =	simm.s32 $0xE0;
	s4 =	sand.u32 @!p0 $0x7, s4;
	s5 =	sadd.s32 @!p0 s1, s5  }
0x105: {  	[hbm4b:s5+s4] =	stream.linear.scatter @!p0 [tilespmem:s3], [sflag:$0x5], $0x1, $0x38;
	[tilespmem:$0x9120] =	vst v63  }
0x106: {  	s5 =	simm.s32 $0x0  }
0x107: {  	s4 =	simm.s32 $0xC1;
	s5 =	simm.s32 @!p0 $0x4  }
.LBB2_25:
0x108: {  	v0 =	vld.msk [tilespmem:s4+$0x0], $0x1;
	s2 =	sadd.s32 $0xFFFFFFFF, s2;
	s0 =	sadd.s32 s0, s5  }
0x109: {  	p0 =	sne.s32 s2, $0x0;
	_ =	sdelay $0x3  }
0x10a: {  	(v2sf) =	vpush v0, $0x0;
	_ =	sdelay $0xe  }
.Ltmp19:
0x10b: {  	s6 =	spop (v2sf);
	(pc) =	sbr.rel @p0 .LBB2_25-.Ltmp19, $4  }
0x10c: {  	s5 =	simm.s32 $0x0;
	p1 =	sgt.u32 s6, $0x13FFFFF  }
0x10d: {  	s3 =	sadd.s32 $0x1, s3;
	s5 =	simm.s32 @!p1 $0x4;
	s7 =	sshrl.u32 @!p1 s6, $0x3  }
0x10e: {  	s4 =	sadd.s32 $0x1, s4;
	s6 =	sand.u32 @!p1 $0x7, s6;
	s7 =	sadd.s32 @!p1 s1, s7  }
0x10f: {  	[hbm4b:s7+s6] =	stream.linear.scatter @!p1 [tilespmem:s3], [sflag:$0x5], $0x1, $0x38;
	[tilespmem:$0x9120] =	vst v63  }
.LBB2_26:
0x110: {  	s0 =	sadd.s32 s0, s5  }
0x111: {  	s0 =	sshrl.u32 s0, $0x2  }
.LBB2_27:
0x112: {  	s1 =	simm.s32 $0x5  }
0x113: {  	_ =	swait.ge [sflag:s1], s0  }
0x114: {  	s28 =	ssub.s32 $0x0, s0;
	[sflag:s1] =	ssyncset.done $0x0  }
0x115: {  	[sflag:s1] =	ssyncadd.s32 s28  }
0x116: {  	[sflag:s1] =	ssyncpa.u1 $0x1  }
0x117: {  	s29 =	simm.s32 $0x1;
	_ =	sfence  }
0x118: {  	s30 =	simm.s32 $0x2;
	[sflag:s29] =	ssyncpa.u1 $0x1  }
0x119: {  	[sflag:s30] =	ssyncpa.u1 $0x1  }
0x11a: {  	_ =	strace $0x90000047  }
0x11b: {  	[bflag:$0x2] =	sbarrier.arrive $0xFFFF  }
0x11c: {  	s31 =	rddreg [dreg:$0x3]  }
0x11d: {  	s0 =	sadd.s32 $0x100000, s31  }
0x11e: {  	[sflag:s0] =	ssyncadd.tile.s32 $0x1;
	_ =	shalt  }
.Lfunc_end2:
_tile_overlayer_lowered:
.L_overlay_start_2:
0x11f: {  	(tag) =	ssettag $0x2  }
0x120: {  	s0 =	rddreg [dreg:$0x0];
	s2 =	stileid.u32  }
0x121: {  	s1 =	rddreg [dreg:$0x1];
	p0 =	sne.s32 s2, $0x0  }
0x122: {  	s3 =	rddreg [dreg:$0x2];
	[bflag:$0x3] =	sbarrier.arrive $0xFFFF;
	s2 =	simm.s32 @!p0 $0x1C01  }
0x123: {  	[timem:s3], [sflag:s2] =	dma.local @!p0 [hbm:s0], s1  }
0x124: {  	s0 =	simm.s32 @!p0 $0x1  }
0x125: {  	_ =	swait.ge @!p0 [sflag:s0], s1  }
0x126: {  	s1 =	ssub.s32 @!p0 $0x0, s1;
	[sflag:s0] =	ssyncset.done @!p0 $0x0  }
0x127: {  	[sflag:s0] =	ssyncadd.s32 @!p0 s1  }
0x128: {  	[bflag:$0x3] =	sbarrier.arrive $0xFFFF  }
0x129: {  	_ =	shalt  }

</sc_bundles>
